<compile_context>
chip_gen: v7x
topology: tpu7x:2x2x1
jax: 0.10.2.dev20260603
libtpu: 0.0.44.dev20260713+nightly
codegen_flags: <defaults>
</compile_context>

<pallas_src>
import functools

import jax
import jax.numpy as jnp
from jax import lax
from jax.experimental import pallas as pl
from jax.experimental.pallas import tpu as pltpu
from jax.experimental.pallas import tpu_sc as plsc

_D_MODEL = 512
_RESOLUTION = 5000
_HALF = _D_MODEL // 2

_NC = 2
_NS = 16
_NW = _NC * _NS
_LANES = 16
_CHUNK = 128
_NBUF = 2
_MAGIC = 12582912.0


def _make_kernel(n_rows):
    assert n_rows % (_NW * _CHUNK * _NBUF) == 0
    rows_per_w = n_rows // _NW
    n_chunks = rows_per_w // _CHUNK
    n_super = n_chunks // _NBUF

    mesh = plsc.VectorSubcoreMesh(core_axis_name="c", subcore_axis_name="s")

    @functools.partial(
        pl.kernel,
        out_type=jax.ShapeDtypeStruct((n_rows, _HALF), jnp.float32),
        mesh=mesh,
        scratch_types=(
            [pltpu.VMEM((_CHUNK,), jnp.float32)] * _NBUF
            + [pltpu.VMEM((_CHUNK,), jnp.int32)] * _NBUF
            + [pltpu.VMEM((_CHUNK, _HALF), jnp.float32)] * _NBUF
            + [pltpu.SemaphoreType.DMA] * (2 * _NBUF)
        ),
    )
    def gather_kernel(r_hbm, pe_hbm, out_hbm, *scratch):
        rb = scratch[0:_NBUF]
        ib = scratch[_NBUF:2 * _NBUF]
        gb = scratch[2 * _NBUF:3 * _NBUF]
        gsem = scratch[3 * _NBUF:4 * _NBUF]
        wsem = scratch[4 * _NBUF:5 * _NBUF]

        wid = lax.axis_index("s") * _NC + lax.axis_index("c")
        base = wid * rows_per_w

        def start_gather(g, b):
            pltpu.sync_copy(r_hbm.at[pl.ds(base + g * _CHUNK, _CHUNK)], rb[b])
            for i in range(_CHUNK // _LANES):
                v = rb[b][pl.ds(i * _LANES, _LANES)]
                v = jnp.maximum(v, jnp.float32(1.0 / _RESOLUTION))
                y = v * jnp.float32(_RESOLUTION)
                y = (y + jnp.float32(_MAGIC)) - jnp.float32(_MAGIC)
                ib[b][pl.ds(i * _LANES, _LANES)] = y.astype(jnp.int32) - 1
            pltpu.async_copy(pe_hbm.at[ib[b]], gb[b], gsem[b])

        for b in range(_NBUF):
            start_gather(b, b)

        def super_body(s, carry):
            g0 = s * _NBUF
            for b in range(_NBUF):
                pltpu.make_async_copy(pe_hbm.at[ib[b]], gb[b], gsem[b]).wait()
                pltpu.async_copy(
                    gb[b],
                    out_hbm.at[pl.ds(base + (g0 + b) * _CHUNK, _CHUNK)],
                    wsem[b],
                )
            for b in range(_NBUF):
                pltpu.make_async_copy(
                    gb[b], out_hbm.at[pl.ds(base, _CHUNK)], wsem[b]
                ).wait()

                @pl.when(s < n_super - 1)
                def _():
                    start_gather(g0 + _NBUF + b, b)

            return carry

        lax.fori_loop(0, n_super, super_body, 0)

    return gather_kernel


@jax.jit
def kernel(r, pe):
    n_rows = r.shape[0] * r.shape[1]
    flat = _make_kernel(n_rows)(r.reshape(n_rows), pe)
    return flat.reshape(r.shape[0], r.shape[1], _HALF)

# --- scband reference (transcript-rebuilt; emitter-appended) ---
"""Pipeline reference for scband-fractional-encoder-28630251995588 (READ-ONLY COPY).

The authoritative reference and input builder live on the scoring server;
editing this copy changes nothing except your own understanding.
"""

import jax, jax.numpy as jnp
import numpy as np

D_MODEL = 512
RESOLUTION = 5000
LOG10 = False


def _build_pe():
    half = D_MODEL // 2
    x = jnp.linspace(0.0, RESOLUTION - 1, RESOLUTION).reshape(RESOLUTION, 1)
    frac = jnp.tile(jnp.linspace(0.0, half - 1, half).reshape(1, half), (RESOLUTION, 1))
    pe = jnp.zeros((RESOLUTION, half), dtype=jnp.float32)
    pe = pe.at[:, 0::2].set(jnp.sin(x / jnp.power(50.0, 2.0 * frac[:, 0::2] / half)).astype(jnp.float32))
    pe = pe.at[:, 1::2].set(jnp.cos(x / jnp.power(50.0, 2.0 * frac[:, 1::2] / half)).astype(jnp.float32))
    return pe


def setup_inputs(seed: int = 0) -> dict:
    key = jax.random.key(seed)
    r = jax.random.uniform(key, (4096, 100), dtype=jnp.float32)
    pe = _build_pe()
    return {"r": r, "pe": pe}


def reference(r, pe):
    # log10 branch disabled since LOG10=False
    if LOG10:
        r = 0.0025 * jnp.log2(r) ** 2
        r = jnp.minimum(r, 1.0)
    r = jnp.maximum(r, 1.0 / RESOLUTION)
    idx = jnp.round(r * RESOLUTION).astype(jnp.int32) - 1
    return jnp.take(pe, idx, axis=0)

if __name__ == "__main__":
    import jax
    _d = setup_inputs()
    print(jax.jit(kernel)(*tuple(_d.values())))

</pallas_src>

<mosaic_0001>
#map = affine_map<(d0, d1) -> (0)>
#map1 = affine_map<(d0, d1) -> (0, 0)>
module attributes {stable_mosaic.version = 14 : i64} {
  func.func @gather_kernel(%arg0: i32, %arg1: i32, %arg2: memref<409600xf32, #tpu.memory_space<hbm>>, %arg3: memref<5000x256xf32, #tpu.memory_space<hbm>>, %arg4: memref<409600x256xf32, #tpu.memory_space<hbm>>, %arg5: memref<128xf32, #tpu.memory_space<vmem>>, %arg6: memref<128xf32, #tpu.memory_space<vmem>>, %arg7: memref<128xi32, #tpu.memory_space<vmem>>, %arg8: memref<128xi32, #tpu.memory_space<vmem>>, %arg9: memref<128x256xf32, #tpu.memory_space<vmem>>, %arg10: memref<128x256xf32, #tpu.memory_space<vmem>>, %arg11: memref<!tpu.dma_semaphore, #tpu.memory_space<semaphore_mem>>, %arg12: memref<!tpu.dma_semaphore, #tpu.memory_space<semaphore_mem>>, %arg13: memref<!tpu.dma_semaphore, #tpu.memory_space<semaphore_mem>>, %arg14: memref<!tpu.dma_semaphore, #tpu.memory_space<semaphore_mem>>) attributes {dimension_semantics = [#tpu.dimension_semantics<core_parallel>, #tpu.dimension_semantics<subcore_parallel>], iteration_bounds = array<i64: 2, 16>, scalar_prefetch = 0 : i64, scratch_operands = 10 : i64, tpu.core_type = #tpu.core_type<sc_vector_subcore>, window_params = [{transform_indices = #map}, {transform_indices = #map1}, {transform_indices = #map1}]} {
    %mul3A = arith.constant 2 : i32
    %mul3A_0 = arith.muli %arg1, %mul3A : i32
    %add3A = arith.addi %mul3A_0, %arg0 : i32
    %mul3A_1 = arith.constant 12800 : i32
    %mul3A_2 = arith.muli %add3A, %mul3A_1 : i32
    %add3A_3 = arith.constant 0 : i32
    %add3A_4 = arith.addi %mul3A_2, %add3A_3 : i32
    "tpu.region"() ({
      %run_scoped3A = tpu.sem_alloc : memref<!tpu.dma_semaphore, #tpu.memory_space<semaphore_mem>>
      %dma_start3A_380 = tpu.memref_slice %arg2[%add3A_4] : memref<409600xf32, #tpu.memory_space<hbm>> -> memref<128xf32, #tpu.memory_space<hbm>>
      %dma_start3A_381 = tpu.memref_slice %arg2[%add3A_4] : memref<409600xf32, #tpu.memory_space<hbm>> -> memref<128xf32, #tpu.memory_space<hbm>>
      tpu.enqueue_dma source(%dma_start3A_381 : memref<128xf32, #tpu.memory_space<hbm>>) target(%arg5 : memref<128xf32, #tpu.memory_space<vmem>>) target_semaphore(%run_scoped3A : memref<!tpu.dma_semaphore, #tpu.memory_space<semaphore_mem>>)
      %dma_wait3A = tpu.memref_slice %arg2[%add3A_4] : memref<409600xf32, #tpu.memory_space<hbm>> -> memref<128xf32, #tpu.memory_space<hbm>>
      %dma_wait3A_382 = tpu.memref_slice %arg2[%add3A_4] : memref<409600xf32, #tpu.memory_space<hbm>> -> memref<128xf32, #tpu.memory_space<hbm>>
      tpu.wait_dma2 semaphore(%run_scoped3A : memref<!tpu.dma_semaphore, #tpu.memory_space<semaphore_mem>>) src(%dma_wait3A_382 : memref<128xf32, #tpu.memory_space<hbm>>) dst(%arg5 : memref<128xf32, #tpu.memory_space<vmem>>)
      tpu.yield
    }) : () -> ()
    %get3A = arith.constant 0 : index
    %get3A_5 = tpu.vector_load %arg5[%get3A] {strides = array<i32>} : memref<128xf32, #tpu.memory_space<vmem>>, vector<16xf32>,
    %get3A_6 = vector.shape_cast %get3A_5 : vector<16xf32> to vector<16xf32>
    %max3A = arith.constant 2.000000e-04 : f32
    %max3A_7 = vector.broadcast %max3A : f32 to vector<16xf32>
    %max3A_8 = arith.maximumf %get3A_6, %max3A_7 : vector<16xf32>
    %mul3A_9 = arith.constant 5.000000e+03 : f32
    %mul3A_10 = vector.broadcast %mul3A_9 : f32 to vector<16xf32>
    %mul3A_11 = arith.mulf %max3A_8, %mul3A_10 : vector<16xf32>
    %add3A_12 = arith.constant 0x4B400000 : f32
    %add3A_13 = vector.broadcast %add3A_12 : f32 to vector<16xf32>
    %add3A_14 = arith.addf %mul3A_11, %add3A_13 : vector<16xf32>
    %sub3A = arith.constant 0x4B400000 : f32
    %sub3A_15 = vector.broadcast %sub3A : f32 to vector<16xf32>
    %sub3A_16 = arith.subf %add3A_14, %sub3A_15 : vector<16xf32>
    %convert_element_type3A = arith.fptosi %sub3A_16 : vector<16xf32> to vector<16xi32>
    %sub3A_17 = arith.constant 1 : i32
    %sub3A_18 = vector.broadcast %sub3A_17 : i32 to vector<16xi32>
    %sub3A_19 = arith.subi %convert_element_type3A, %sub3A_18 : vector<16xi32>
    %swap3A = arith.constant 0 : index
    %swap3A_20 = tpu.vector_load %arg7[%swap3A] {strides = array<i32>} : memref<128xi32, #tpu.memory_space<vmem>>, vector<16xi32>,
    %swap3A_21 = vector.shape_cast %swap3A_20 : vector<16xi32> to vector<16xi32>
    %swap3A_22 = vector.shape_cast %sub3A_19 : vector<16xi32> to vector<16xi32>
    tpu.vector_store %arg7[%swap3A], %swap3A_22 {strides = array<i32>} : memref<128xi32, #tpu.memory_space<vmem>>, vector<16xi32>,
    %get3A_23 = arith.constant 16 : index
    %get3A_24 = tpu.vector_load %arg5[%get3A_23] {strides = array<i32>} : memref<128xf32, #tpu.memory_space<vmem>>, vector<16xf32>,
    %get3A_25 = vector.shape_cast %get3A_24 : vector<16xf32> to vector<16xf32>
    %max3A_26 = arith.constant 2.000000e-04 : f32
    %max3A_27 = vector.broadcast %max3A_26 : f32 to vector<16xf32>
    %max3A_28 = arith.maximumf %get3A_25, %max3A_27 : vector<16xf32>
    %mul3A_29 = arith.constant 5.000000e+03 : f32
    %mul3A_30 = vector.broadcast %mul3A_29 : f32 to vector<16xf32>
    %mul3A_31 = arith.mulf %max3A_28, %mul3A_30 : vector<16xf32>
    %add3A_32 = arith.constant 0x4B400000 : f32
    %add3A_33 = vector.broadcast %add3A_32 : f32 to vector<16xf32>
    %add3A_34 = arith.addf %mul3A_31, %add3A_33 : vector<16xf32>
    %sub3A_35 = arith.constant 0x4B400000 : f32
    %sub3A_36 = vector.broadcast %sub3A_35 : f32 to vector<16xf32>
    %sub3A_37 = arith.subf %add3A_34, %sub3A_36 : vector<16xf32>
    %convert_element_type3A_38 = arith.fptosi %sub3A_37 : vector<16xf32> to vector<16xi32>
    %sub3A_39 = arith.constant 1 : i32
    %sub3A_40 = vector.broadcast %sub3A_39 : i32 to vector<16xi32>
    %sub3A_41 = arith.subi %convert_element_type3A_38, %sub3A_40 : vector<16xi32>
    %swap3A_42 = arith.constant 16 : index
    %swap3A_43 = tpu.vector_load %arg7[%swap3A_42] {strides = array<i32>} : memref<128xi32, #tpu.memory_space<vmem>>, vector<16xi32>,
    %swap3A_44 = vector.shape_cast %swap3A_43 : vector<16xi32> to vector<16xi32>
    %swap3A_45 = vector.shape_cast %sub3A_41 : vector<16xi32> to vector<16xi32>
    tpu.vector_store %arg7[%swap3A_42], %swap3A_45 {strides = array<i32>} : memref<128xi32, #tpu.memory_space<vmem>>, vector<16xi32>,
    %get3A_46 = arith.constant 32 : index
    %get3A_47 = tpu.vector_load %arg5[%get3A_46] {strides = array<i32>} : memref<128xf32, #tpu.memory_space<vmem>>, vector<16xf32>,
    %get3A_48 = vector.shape_cast %get3A_47 : vector<16xf32> to vector<16xf32>
    %max3A_49 = arith.constant 2.000000e-04 : f32
    %max3A_50 = vector.broadcast %max3A_49 : f32 to vector<16xf32>
    %max3A_51 = arith.maximumf %get3A_48, %max3A_50 : vector<16xf32>
    %mul3A_52 = arith.constant 5.000000e+03 : f32
    %mul3A_53 = vector.broadcast %mul3A_52 : f32 to vector<16xf32>
    %mul3A_54 = arith.mulf %max3A_51, %mul3A_53 : vector<16xf32>
    %add3A_55 = arith.constant 0x4B400000 : f32
    %add3A_56 = vector.broadcast %add3A_55 : f32 to vector<16xf32>
    %add3A_57 = arith.addf %mul3A_54, %add3A_56 : vector<16xf32>
    %sub3A_58 = arith.constant 0x4B400000 : f32
    %sub3A_59 = vector.broadcast %sub3A_58 : f32 to vector<16xf32>
    %sub3A_60 = arith.subf %add3A_57, %sub3A_59 : vector<16xf32>
    %convert_element_type3A_61 = arith.fptosi %sub3A_60 : vector<16xf32> to vector<16xi32>
    %sub3A_62 = arith.constant 1 : i32
    %sub3A_63 = vector.broadcast %sub3A_62 : i32 to vector<16xi32>
    %sub3A_64 = arith.subi %convert_element_type3A_61, %sub3A_63 : vector<16xi32>
    %swap3A_65 = arith.constant 32 : index
    %swap3A_66 = tpu.vector_load %arg7[%swap3A_65] {strides = array<i32>} : memref<128xi32, #tpu.memory_space<vmem>>, vector<16xi32>,
    %swap3A_67 = vector.shape_cast %swap3A_66 : vector<16xi32> to vector<16xi32>
    %swap3A_68 = vector.shape_cast %sub3A_64 : vector<16xi32> to vector<16xi32>
    tpu.vector_store %arg7[%swap3A_65], %swap3A_68 {strides = array<i32>} : memref<128xi32, #tpu.memory_space<vmem>>, vector<16xi32>,
    %get3A_69 = arith.constant 48 : index
    %get3A_70 = tpu.vector_load %arg5[%get3A_69] {strides = array<i32>} : memref<128xf32, #tpu.memory_space<vmem>>, vector<16xf32>,
    %get3A_71 = vector.shape_cast %get3A_70 : vector<16xf32> to vector<16xf32>
    %max3A_72 = arith.constant 2.000000e-04 : f32
    %max3A_73 = vector.broadcast %max3A_72 : f32 to vector<16xf32>
    %max3A_74 = arith.maximumf %get3A_71, %max3A_73 : vector<16xf32>
    %mul3A_75 = arith.constant 5.000000e+03 : f32
    %mul3A_76 = vector.broadcast %mul3A_75 : f32 to vector<16xf32>
    %mul3A_77 = arith.mulf %max3A_74, %mul3A_76 : vector<16xf32>
    %add3A_78 = arith.constant 0x4B400000 : f32
    %add3A_79 = vector.broadcast %add3A_78 : f32 to vector<16xf32>
    %add3A_80 = arith.addf %mul3A_77, %add3A_79 : vector<16xf32>
    %sub3A_81 = arith.constant 0x4B400000 : f32
    %sub3A_82 = vector.broadcast %sub3A_81 : f32 to vector<16xf32>
    %sub3A_83 = arith.subf %add3A_80, %sub3A_82 : vector<16xf32>
    %convert_element_type3A_84 = arith.fptosi %sub3A_83 : vector<16xf32> to vector<16xi32>
    %sub3A_85 = arith.constant 1 : i32
    %sub3A_86 = vector.broadcast %sub3A_85 : i32 to vector<16xi32>
    %sub3A_87 = arith.subi %convert_element_type3A_84, %sub3A_86 : vector<16xi32>
    %swap3A_88 = arith.constant 48 : index
    %swap3A_89 = tpu.vector_load %arg7[%swap3A_88] {strides = array<i32>} : memref<128xi32, #tpu.memory_space<vmem>>, vector<16xi32>,
    %swap3A_90 = vector.shape_cast %swap3A_89 : vector<16xi32> to vector<16xi32>
    %swap3A_91 = vector.shape_cast %sub3A_87 : vector<16xi32> to vector<16xi32>
    tpu.vector_store %arg7[%swap3A_88], %swap3A_91 {strides = array<i32>} : memref<128xi32, #tpu.memory_space<vmem>>, vector<16xi32>,
    %get3A_92 = arith.constant 64 : index
    %get3A_93 = tpu.vector_load %arg5[%get3A_92] {strides = array<i32>} : memref<128xf32, #tpu.memory_space<vmem>>, vector<16xf32>,
    %get3A_94 = vector.shape_cast %get3A_93 : vector<16xf32> to vector<16xf32>
    %max3A_95 = arith.constant 2.000000e-04 : f32
    %max3A_96 = vector.broadcast %max3A_95 : f32 to vector<16xf32>
    %max3A_97 = arith.maximumf %get3A_94, %max3A_96 : vector<16xf32>
    %mul3A_98 = arith.constant 5.000000e+03 : f32
    %mul3A_99 = vector.broadcast %mul3A_98 : f32 to vector<16xf32>
    %mul3A_100 = arith.mulf %max3A_97, %mul3A_99 : vector<16xf32>
    %add3A_101 = arith.constant 0x4B400000 : f32
    %add3A_102 = vector.broadcast %add3A_101 : f32 to vector<16xf32>
    %add3A_103 = arith.addf %mul3A_100, %add3A_102 : vector<16xf32>
    %sub3A_104 = arith.constant 0x4B400000 : f32
    %sub3A_105 = vector.broadcast %sub3A_104 : f32 to vector<16xf32>
    %sub3A_106 = arith.subf %add3A_103, %sub3A_105 : vector<16xf32>
    %convert_element_type3A_107 = arith.fptosi %sub3A_106 : vector<16xf32> to vector<16xi32>
    %sub3A_108 = arith.constant 1 : i32
    %sub3A_109 = vector.broadcast %sub3A_108 : i32 to vector<16xi32>
    %sub3A_110 = arith.subi %convert_element_type3A_107, %sub3A_109 : vector<16xi32>
    %swap3A_111 = arith.constant 64 : index
    %swap3A_112 = tpu.vector_load %arg7[%swap3A_111] {strides = array<i32>} : memref<128xi32, #tpu.memory_space<vmem>>, vector<16xi32>,
    %swap3A_113 = vector.shape_cast %swap3A_112 : vector<16xi32> to vector<16xi32>
    %swap3A_114 = vector.shape_cast %sub3A_110 : vector<16xi32> to vector<16xi32>
    tpu.vector_store %arg7[%swap3A_111], %swap3A_114 {strides = array<i32>} : memref<128xi32, #tpu.memory_space<vmem>>, vector<16xi32>,
    %get3A_115 = arith.constant 80 : index
    %get3A_116 = tpu.vector_load %arg5[%get3A_115] {strides = array<i32>} : memref<128xf32, #tpu.memory_space<vmem>>, vector<16xf32>,
    %get3A_117 = vector.shape_cast %get3A_116 : vector<16xf32> to vector<16xf32>
    %max3A_118 = arith.constant 2.000000e-04 : f32
    %max3A_119 = vector.broadcast %max3A_118 : f32 to vector<16xf32>
    %max3A_120 = arith.maximumf %get3A_117, %max3A_119 : vector<16xf32>
    %mul3A_121 = arith.constant 5.000000e+03 : f32
    %mul3A_122 = vector.broadcast %mul3A_121 : f32 to vector<16xf32>
    %mul3A_123 = arith.mulf %max3A_120, %mul3A_122 : vector<16xf32>
    %add3A_124 = arith.constant 0x4B400000 : f32
    %add3A_125 = vector.broadcast %add3A_124 : f32 to vector<16xf32>
    %add3A_126 = arith.addf %mul3A_123, %add3A_125 : vector<16xf32>
    %sub3A_127 = arith.constant 0x4B400000 : f32
    %sub3A_128 = vector.broadcast %sub3A_127 : f32 to vector<16xf32>
    %sub3A_129 = arith.subf %add3A_126, %sub3A_128 : vector<16xf32>
    %convert_element_type3A_130 = arith.fptosi %sub3A_129 : vector<16xf32> to vector<16xi32>
    %sub3A_131 = arith.constant 1 : i32
    %sub3A_132 = vector.broadcast %sub3A_131 : i32 to vector<16xi32>
    %sub3A_133 = arith.subi %convert_element_type3A_130, %sub3A_132 : vector<16xi32>
    %swap3A_134 = arith.constant 80 : index
    %swap3A_135 = tpu.vector_load %arg7[%swap3A_134] {strides = array<i32>} : memref<128xi32, #tpu.memory_space<vmem>>, vector<16xi32>,
    %swap3A_136 = vector.shape_cast %swap3A_135 : vector<16xi32> to vector<16xi32>
    %swap3A_137 = vector.shape_cast %sub3A_133 : vector<16xi32> to vector<16xi32>
    tpu.vector_store %arg7[%swap3A_134], %swap3A_137 {strides = array<i32>} : memref<128xi32, #tpu.memory_space<vmem>>, vector<16xi32>,
    %get3A_138 = arith.constant 96 : index
    %get3A_139 = tpu.vector_load %arg5[%get3A_138] {strides = array<i32>} : memref<128xf32, #tpu.memory_space<vmem>>, vector<16xf32>,
    %get3A_140 = vector.shape_cast %get3A_139 : vector<16xf32> to vector<16xf32>
    %max3A_141 = arith.constant 2.000000e-04 : f32
    %max3A_142 = vector.broadcast %max3A_141 : f32 to vector<16xf32>
    %max3A_143 = arith.maximumf %get3A_140, %max3A_142 : vector<16xf32>
    %mul3A_144 = arith.constant 5.000000e+03 : f32
    %mul3A_145 = vector.broadcast %mul3A_144 : f32 to vector<16xf32>
    %mul3A_146 = arith.mulf %max3A_143, %mul3A_145 : vector<16xf32>
    %add3A_147 = arith.constant 0x4B400000 : f32
    %add3A_148 = vector.broadcast %add3A_147 : f32 to vector<16xf32>
    %add3A_149 = arith.addf %mul3A_146, %add3A_148 : vector<16xf32>
    %sub3A_150 = arith.constant 0x4B400000 : f32
    %sub3A_151 = vector.broadcast %sub3A_150 : f32 to vector<16xf32>
    %sub3A_152 = arith.subf %add3A_149, %sub3A_151 : vector<16xf32>
    %convert_element_type3A_153 = arith.fptosi %sub3A_152 : vector<16xf32> to vector<16xi32>
    %sub3A_154 = arith.constant 1 : i32
    %sub3A_155 = vector.broadcast %sub3A_154 : i32 to vector<16xi32>
    %sub3A_156 = arith.subi %convert_element_type3A_153, %sub3A_155 : vector<16xi32>
    %swap3A_157 = arith.constant 96 : index
    %swap3A_158 = tpu.vector_load %arg7[%swap3A_157] {strides = array<i32>} : memref<128xi32, #tpu.memory_space<vmem>>, vector<16xi32>,
    %swap3A_159 = vector.shape_cast %swap3A_158 : vector<16xi32> to vector<16xi32>
    %swap3A_160 = vector.shape_cast %sub3A_156 : vector<16xi32> to vector<16xi32>
    tpu.vector_store %arg7[%swap3A_157], %swap3A_160 {strides = array<i32>} : memref<128xi32, #tpu.memory_space<vmem>>, vector<16xi32>,
    %get3A_161 = arith.constant 112 : index
    %get3A_162 = tpu.vector_load %arg5[%get3A_161] {strides = array<i32>} : memref<128xf32, #tpu.memory_space<vmem>>, vector<16xf32>,
    %get3A_163 = vector.shape_cast %get3A_162 : vector<16xf32> to vector<16xf32>
    %max3A_164 = arith.constant 2.000000e-04 : f32
    %max3A_165 = vector.broadcast %max3A_164 : f32 to vector<16xf32>
    %max3A_166 = arith.maximumf %get3A_163, %max3A_165 : vector<16xf32>
    %mul3A_167 = arith.constant 5.000000e+03 : f32
    %mul3A_168 = vector.broadcast %mul3A_167 : f32 to vector<16xf32>
    %mul3A_169 = arith.mulf %max3A_166, %mul3A_168 : vector<16xf32>
    %add3A_170 = arith.constant 0x4B400000 : f32
    %add3A_171 = vector.broadcast %add3A_170 : f32 to vector<16xf32>
    %add3A_172 = arith.addf %mul3A_169, %add3A_171 : vector<16xf32>
    %sub3A_173 = arith.constant 0x4B400000 : f32
    %sub3A_174 = vector.broadcast %sub3A_173 : f32 to vector<16xf32>
    %sub3A_175 = arith.subf %add3A_172, %sub3A_174 : vector<16xf32>
    %convert_element_type3A_176 = arith.fptosi %sub3A_175 : vector<16xf32> to vector<16xi32>
    %sub3A_177 = arith.constant 1 : i32
    %sub3A_178 = vector.broadcast %sub3A_177 : i32 to vector<16xi32>
    %sub3A_179 = arith.subi %convert_element_type3A_176, %sub3A_178 : vector<16xi32>
    %swap3A_180 = arith.constant 112 : index
    %swap3A_181 = tpu.vector_load %arg7[%swap3A_180] {strides = array<i32>} : memref<128xi32, #tpu.memory_space<vmem>>, vector<16xi32>,
    %swap3A_182 = vector.shape_cast %swap3A_181 : vector<16xi32> to vector<16xi32>
    %swap3A_183 = vector.shape_cast %sub3A_179 : vector<16xi32> to vector<16xi32>
    tpu.vector_store %arg7[%swap3A_180], %swap3A_183 {strides = array<i32>} : memref<128xi32, #tpu.memory_space<vmem>>, vector<16xi32>,
    %dma_start3A = arith.constant 0 : i32
    %dma_start3A_184 = arith.constant 0 : i32
    %dma_start3A_185 = tpu.memref_slice %arg3[%dma_start3A, %dma_start3A_184] : memref<5000x256xf32, #tpu.memory_space<hbm>> -> memref<5000x256xf32, #tpu.memory_space<hbm>>
    tpu.enqueue_indirect_dma source(%dma_start3A_185 : memref<5000x256xf32, #tpu.memory_space<hbm>>) target(%arg9 : memref<128x256xf32, #tpu.memory_space<vmem>>) offsets(%arg7 : memref<128xi32, #tpu.memory_space<vmem>>) semaphore(%arg11 : memref<!tpu.dma_semaphore, #tpu.memory_space<semaphore_mem>>)
    %add3A_186 = arith.constant 128 : i32
    %add3A_187 = arith.addi %mul3A_2, %add3A_186 : i32
    "tpu.region"() ({
      %run_scoped3A = tpu.sem_alloc : memref<!tpu.dma_semaphore, #tpu.memory_space<semaphore_mem>>
      %dma_start3A_380 = tpu.memref_slice %arg2[%add3A_187] : memref<409600xf32, #tpu.memory_space<hbm>> -> memref<128xf32, #tpu.memory_space<hbm>>
      %dma_start3A_381 = tpu.memref_slice %arg2[%add3A_187] : memref<409600xf32, #tpu.memory_space<hbm>> -> memref<128xf32, #tpu.memory_space<hbm>>
      tpu.enqueue_dma source(%dma_start3A_381 : memref<128xf32, #tpu.memory_space<hbm>>) target(%arg6 : memref<128xf32, #tpu.memory_space<vmem>>) target_semaphore(%run_scoped3A : memref<!tpu.dma_semaphore, #tpu.memory_space<semaphore_mem>>)
      %dma_wait3A = tpu.memref_slice %arg2[%add3A_187] : memref<409600xf32, #tpu.memory_space<hbm>> -> memref<128xf32, #tpu.memory_space<hbm>>
      %dma_wait3A_382 = tpu.memref_slice %arg2[%add3A_187] : memref<409600xf32, #tpu.memory_space<hbm>> -> memref<128xf32, #tpu.memory_space<hbm>>
      tpu.wait_dma2 semaphore(%run_scoped3A : memref<!tpu.dma_semaphore, #tpu.memory_space<semaphore_mem>>) src(%dma_wait3A_382 : memref<128xf32, #tpu.memory_space<hbm>>) dst(%arg6 : memref<128xf32, #tpu.memory_space<vmem>>)
      tpu.yield
    }) : () -> ()
    %get3A_188 = arith.constant 0 : index
    %get3A_189 = tpu.vector_load %arg6[%get3A_188] {strides = array<i32>} : memref<128xf32, #tpu.memory_space<vmem>>, vector<16xf32>,
    %get3A_190 = vector.shape_cast %get3A_189 : vector<16xf32> to vector<16xf32>
    %max3A_191 = arith.constant 2.000000e-04 : f32
    %max3A_192 = vector.broadcast %max3A_191 : f32 to vector<16xf32>
    %max3A_193 = arith.maximumf %get3A_190, %max3A_192 : vector<16xf32>
    %mul3A_194 = arith.constant 5.000000e+03 : f32
    %mul3A_195 = vector.broadcast %mul3A_194 : f32 to vector<16xf32>
    %mul3A_196 = arith.mulf %max3A_193, %mul3A_195 : vector<16xf32>
    %add3A_197 = arith.constant 0x4B400000 : f32
    %add3A_198 = vector.broadcast %add3A_197 : f32 to vector<16xf32>
    %add3A_199 = arith.addf %mul3A_196, %add3A_198 : vector<16xf32>
    %sub3A_200 = arith.constant 0x4B400000 : f32
    %sub3A_201 = vector.broadcast %sub3A_200 : f32 to vector<16xf32>
    %sub3A_202 = arith.subf %add3A_199, %sub3A_201 : vector<16xf32>
    %convert_element_type3A_203 = arith.fptosi %sub3A_202 : vector<16xf32> to vector<16xi32>
    %sub3A_204 = arith.constant 1 : i32
    %sub3A_205 = vector.broadcast %sub3A_204 : i32 to vector<16xi32>
    %sub3A_206 = arith.subi %convert_element_type3A_203, %sub3A_205 : vector<16xi32>
    %swap3A_207 = arith.constant 0 : index
    %swap3A_208 = tpu.vector_load %arg8[%swap3A_207] {strides = array<i32>} : memref<128xi32, #tpu.memory_space<vmem>>, vector<16xi32>,
    %swap3A_209 = vector.shape_cast %swap3A_208 : vector<16xi32> to vector<16xi32>
    %swap3A_210 = vector.shape_cast %sub3A_206 : vector<16xi32> to vector<16xi32>
    tpu.vector_store %arg8[%swap3A_207], %swap3A_210 {strides = array<i32>} : memref<128xi32, #tpu.memory_space<vmem>>, vector<16xi32>,
    %get3A_211 = arith.constant 16 : index
    %get3A_212 = tpu.vector_load %arg6[%get3A_211] {strides = array<i32>} : memref<128xf32, #tpu.memory_space<vmem>>, vector<16xf32>,
    %get3A_213 = vector.shape_cast %get3A_212 : vector<16xf32> to vector<16xf32>
    %max3A_214 = arith.constant 2.000000e-04 : f32
    %max3A_215 = vector.broadcast %max3A_214 : f32 to vector<16xf32>
    %max3A_216 = arith.maximumf %get3A_213, %max3A_215 : vector<16xf32>
    %mul3A_217 = arith.constant 5.000000e+03 : f32
    %mul3A_218 = vector.broadcast %mul3A_217 : f32 to vector<16xf32>
    %mul3A_219 = arith.mulf %max3A_216, %mul3A_218 : vector<16xf32>
    %add3A_220 = arith.constant 0x4B400000 : f32
    %add3A_221 = vector.broadcast %add3A_220 : f32 to vector<16xf32>
    %add3A_222 = arith.addf %mul3A_219, %add3A_221 : vector<16xf32>
    %sub3A_223 = arith.constant 0x4B400000 : f32
    %sub3A_224 = vector.broadcast %sub3A_223 : f32 to vector<16xf32>
    %sub3A_225 = arith.subf %add3A_222, %sub3A_224 : vector<16xf32>
    %convert_element_type3A_226 = arith.fptosi %sub3A_225 : vector<16xf32> to vector<16xi32>
    %sub3A_227 = arith.constant 1 : i32
    %sub3A_228 = vector.broadcast %sub3A_227 : i32 to vector<16xi32>
    %sub3A_229 = arith.subi %convert_element_type3A_226, %sub3A_228 : vector<16xi32>
    %swap3A_230 = arith.constant 16 : index
    %swap3A_231 = tpu.vector_load %arg8[%swap3A_230] {strides = array<i32>} : memref<128xi32, #tpu.memory_space<vmem>>, vector<16xi32>,
    %swap3A_232 = vector.shape_cast %swap3A_231 : vector<16xi32> to vector<16xi32>
    %swap3A_233 = vector.shape_cast %sub3A_229 : vector<16xi32> to vector<16xi32>
    tpu.vector_store %arg8[%swap3A_230], %swap3A_233 {strides = array<i32>} : memref<128xi32, #tpu.memory_space<vmem>>, vector<16xi32>,
    %get3A_234 = arith.constant 32 : index
    %get3A_235 = tpu.vector_load %arg6[%get3A_234] {strides = array<i32>} : memref<128xf32, #tpu.memory_space<vmem>>, vector<16xf32>,
    %get3A_236 = vector.shape_cast %get3A_235 : vector<16xf32> to vector<16xf32>
    %max3A_237 = arith.constant 2.000000e-04 : f32
    %max3A_238 = vector.broadcast %max3A_237 : f32 to vector<16xf32>
    %max3A_239 = arith.maximumf %get3A_236, %max3A_238 : vector<16xf32>
    %mul3A_240 = arith.constant 5.000000e+03 : f32
    %mul3A_241 = vector.broadcast %mul3A_240 : f32 to vector<16xf32>
    %mul3A_242 = arith.mulf %max3A_239, %mul3A_241 : vector<16xf32>
    %add3A_243 = arith.constant 0x4B400000 : f32
    %add3A_244 = vector.broadcast %add3A_243 : f32 to vector<16xf32>
    %add3A_245 = arith.addf %mul3A_242, %add3A_244 : vector<16xf32>
    %sub3A_246 = arith.constant 0x4B400000 : f32
    %sub3A_247 = vector.broadcast %sub3A_246 : f32 to vector<16xf32>
    %sub3A_248 = arith.subf %add3A_245, %sub3A_247 : vector<16xf32>
    %convert_element_type3A_249 = arith.fptosi %sub3A_248 : vector<16xf32> to vector<16xi32>
    %sub3A_250 = arith.constant 1 : i32
    %sub3A_251 = vector.broadcast %sub3A_250 : i32 to vector<16xi32>
    %sub3A_252 = arith.subi %convert_element_type3A_249, %sub3A_251 : vector<16xi32>
    %swap3A_253 = arith.constant 32 : index
    %swap3A_254 = tpu.vector_load %arg8[%swap3A_253] {strides = array<i32>} : memref<128xi32, #tpu.memory_space<vmem>>, vector<16xi32>,
    %swap3A_255 = vector.shape_cast %swap3A_254 : vector<16xi32> to vector<16xi32>
    %swap3A_256 = vector.shape_cast %sub3A_252 : vector<16xi32> to vector<16xi32>
    tpu.vector_store %arg8[%swap3A_253], %swap3A_256 {strides = array<i32>} : memref<128xi32, #tpu.memory_space<vmem>>, vector<16xi32>,
    %get3A_257 = arith.constant 48 : index
    %get3A_258 = tpu.vector_load %arg6[%get3A_257] {strides = array<i32>} : memref<128xf32, #tpu.memory_space<vmem>>, vector<16xf32>,
    %get3A_259 = vector.shape_cast %get3A_258 : vector<16xf32> to vector<16xf32>
    %max3A_260 = arith.constant 2.000000e-04 : f32
    %max3A_261 = vector.broadcast %max3A_260 : f32 to vector<16xf32>
    %max3A_262 = arith.maximumf %get3A_259, %max3A_261 : vector<16xf32>
    %mul3A_263 = arith.constant 5.000000e+03 : f32
    %mul3A_264 = vector.broadcast %mul3A_263 : f32 to vector<16xf32>
    %mul3A_265 = arith.mulf %max3A_262, %mul3A_264 : vector<16xf32>
    %add3A_266 = arith.constant 0x4B400000 : f32
    %add3A_267 = vector.broadcast %add3A_266 : f32 to vector<16xf32>
    %add3A_268 = arith.addf %mul3A_265, %add3A_267 : vector<16xf32>
    %sub3A_269 = arith.constant 0x4B400000 : f32
    %sub3A_270 = vector.broadcast %sub3A_269 : f32 to vector<16xf32>
    %sub3A_271 = arith.subf %add3A_268, %sub3A_270 : vector<16xf32>
    %convert_element_type3A_272 = arith.fptosi %sub3A_271 : vector<16xf32> to vector<16xi32>
    %sub3A_273 = arith.constant 1 : i32
    %sub3A_274 = vector.broadcast %sub3A_273 : i32 to vector<16xi32>
    %sub3A_275 = arith.subi %convert_element_type3A_272, %sub3A_274 : vector<16xi32>
    %swap3A_276 = arith.constant 48 : index
    %swap3A_277 = tpu.vector_load %arg8[%swap3A_276] {strides = array<i32>} : memref<128xi32, #tpu.memory_space<vmem>>, vector<16xi32>,
    %swap3A_278 = vector.shape_cast %swap3A_277 : vector<16xi32> to vector<16xi32>
    %swap3A_279 = vector.shape_cast %sub3A_275 : vector<16xi32> to vector<16xi32>
    tpu.vector_store %arg8[%swap3A_276], %swap3A_279 {strides = array<i32>} : memref<128xi32, #tpu.memory_space<vmem>>, vector<16xi32>,
    %get3A_280 = arith.constant 64 : index
    %get3A_281 = tpu.vector_load %arg6[%get3A_280] {strides = array<i32>} : memref<128xf32, #tpu.memory_space<vmem>>, vector<16xf32>,
    %get3A_282 = vector.shape_cast %get3A_281 : vector<16xf32> to vector<16xf32>
    %max3A_283 = arith.constant 2.000000e-04 : f32
    %max3A_284 = vector.broadcast %max3A_283 : f32 to vector<16xf32>
    %max3A_285 = arith.maximumf %get3A_282, %max3A_284 : vector<16xf32>
    %mul3A_286 = arith.constant 5.000000e+03 : f32
    %mul3A_287 = vector.broadcast %mul3A_286 : f32 to vector<16xf32>
    %mul3A_288 = arith.mulf %max3A_285, %mul3A_287 : vector<16xf32>
    %add3A_289 = arith.constant 0x4B400000 : f32
    %add3A_290 = vector.broadcast %add3A_289 : f32 to vector<16xf32>
    %add3A_291 = arith.addf %mul3A_288, %add3A_290 : vector<16xf32>
    %sub3A_292 = arith.constant 0x4B400000 : f32
    %sub3A_293 = vector.broadcast %sub3A_292 : f32 to vector<16xf32>
    %sub3A_294 = arith.subf %add3A_291, %sub3A_293 : vector<16xf32>
    %convert_element_type3A_295 = arith.fptosi %sub3A_294 : vector<16xf32> to vector<16xi32>
    %sub3A_296 = arith.constant 1 : i32
    %sub3A_297 = vector.broadcast %sub3A_296 : i32 to vector<16xi32>
    %sub3A_298 = arith.subi %convert_element_type3A_295, %sub3A_297 : vector<16xi32>
    %swap3A_299 = arith.constant 64 : index
    %swap3A_300 = tpu.vector_load %arg8[%swap3A_299] {strides = array<i32>} : memref<128xi32, #tpu.memory_space<vmem>>, vector<16xi32>,
    %swap3A_301 = vector.shape_cast %swap3A_300 : vector<16xi32> to vector<16xi32>
    %swap3A_302 = vector.shape_cast %sub3A_298 : vector<16xi32> to vector<16xi32>
    tpu.vector_store %arg8[%swap3A_299], %swap3A_302 {strides = array<i32>} : memref<128xi32, #tpu.memory_space<vmem>>, vector<16xi32>,
    %get3A_303 = arith.constant 80 : index
    %get3A_304 = tpu.vector_load %arg6[%get3A_303] {strides = array<i32>} : memref<128xf32, #tpu.memory_space<vmem>>, vector<16xf32>,
    %get3A_305 = vector.shape_cast %get3A_304 : vector<16xf32> to vector<16xf32>
    %max3A_306 = arith.constant 2.000000e-04 : f32
    %max3A_307 = vector.broadcast %max3A_306 : f32 to vector<16xf32>
    %max3A_308 = arith.maximumf %get3A_305, %max3A_307 : vector<16xf32>
    %mul3A_309 = arith.constant 5.000000e+03 : f32
    %mul3A_310 = vector.broadcast %mul3A_309 : f32 to vector<16xf32>
    %mul3A_311 = arith.mulf %max3A_308, %mul3A_310 : vector<16xf32>
    %add3A_312 = arith.constant 0x4B400000 : f32
    %add3A_313 = vector.broadcast %add3A_312 : f32 to vector<16xf32>
    %add3A_314 = arith.addf %mul3A_311, %add3A_313 : vector<16xf32>
    %sub3A_315 = arith.constant 0x4B400000 : f32
    %sub3A_316 = vector.broadcast %sub3A_315 : f32 to vector<16xf32>
    %sub3A_317 = arith.subf %add3A_314, %sub3A_316 : vector<16xf32>
    %convert_element_type3A_318 = arith.fptosi %sub3A_317 : vector<16xf32> to vector<16xi32>
    %sub3A_319 = arith.constant 1 : i32
    %sub3A_320 = vector.broadcast %sub3A_319 : i32 to vector<16xi32>
    %sub3A_321 = arith.subi %convert_element_type3A_318, %sub3A_320 : vector<16xi32>
    %swap3A_322 = arith.constant 80 : index
    %swap3A_323 = tpu.vector_load %arg8[%swap3A_322] {strides = array<i32>} : memref<128xi32, #tpu.memory_space<vmem>>, vector<16xi32>,
    %swap3A_324 = vector.shape_cast %swap3A_323 : vector<16xi32> to vector<16xi32>
    %swap3A_325 = vector.shape_cast %sub3A_321 : vector<16xi32> to vector<16xi32>
    tpu.vector_store %arg8[%swap3A_322], %swap3A_325 {strides = array<i32>} : memref<128xi32, #tpu.memory_space<vmem>>, vector<16xi32>,
    %get3A_326 = arith.constant 96 : index
    %get3A_327 = tpu.vector_load %arg6[%get3A_326] {strides = array<i32>} : memref<128xf32, #tpu.memory_space<vmem>>, vector<16xf32>,
    %get3A_328 = vector.shape_cast %get3A_327 : vector<16xf32> to vector<16xf32>
    %max3A_329 = arith.constant 2.000000e-04 : f32
    %max3A_330 = vector.broadcast %max3A_329 : f32 to vector<16xf32>
    %max3A_331 = arith.maximumf %get3A_328, %max3A_330 : vector<16xf32>
    %mul3A_332 = arith.constant 5.000000e+03 : f32
    %mul3A_333 = vector.broadcast %mul3A_332 : f32 to vector<16xf32>
    %mul3A_334 = arith.mulf %max3A_331, %mul3A_333 : vector<16xf32>
    %add3A_335 = arith.constant 0x4B400000 : f32
    %add3A_336 = vector.broadcast %add3A_335 : f32 to vector<16xf32>
    %add3A_337 = arith.addf %mul3A_334, %add3A_336 : vector<16xf32>
    %sub3A_338 = arith.constant 0x4B400000 : f32
    %sub3A_339 = vector.broadcast %sub3A_338 : f32 to vector<16xf32>
    %sub3A_340 = arith.subf %add3A_337, %sub3A_339 : vector<16xf32>
    %convert_element_type3A_341 = arith.fptosi %sub3A_340 : vector<16xf32> to vector<16xi32>
    %sub3A_342 = arith.constant 1 : i32
    %sub3A_343 = vector.broadcast %sub3A_342 : i32 to vector<16xi32>
    %sub3A_344 = arith.subi %convert_element_type3A_341, %sub3A_343 : vector<16xi32>
    %swap3A_345 = arith.constant 96 : index
    %swap3A_346 = tpu.vector_load %arg8[%swap3A_345] {strides = array<i32>} : memref<128xi32, #tpu.memory_space<vmem>>, vector<16xi32>,
    %swap3A_347 = vector.shape_cast %swap3A_346 : vector<16xi32> to vector<16xi32>
    %swap3A_348 = vector.shape_cast %sub3A_344 : vector<16xi32> to vector<16xi32>
    tpu.vector_store %arg8[%swap3A_345], %swap3A_348 {strides = array<i32>} : memref<128xi32, #tpu.memory_space<vmem>>, vector<16xi32>,
    %get3A_349 = arith.constant 112 : index
    %get3A_350 = tpu.vector_load %arg6[%get3A_349] {strides = array<i32>} : memref<128xf32, #tpu.memory_space<vmem>>, vector<16xf32>,
    %get3A_351 = vector.shape_cast %get3A_350 : vector<16xf32> to vector<16xf32>
    %max3A_352 = arith.constant 2.000000e-04 : f32
    %max3A_353 = vector.broadcast %max3A_352 : f32 to vector<16xf32>
    %max3A_354 = arith.maximumf %get3A_351, %max3A_353 : vector<16xf32>
    %mul3A_355 = arith.constant 5.000000e+03 : f32
    %mul3A_356 = vector.broadcast %mul3A_355 : f32 to vector<16xf32>
    %mul3A_357 = arith.mulf %max3A_354, %mul3A_356 : vector<16xf32>
    %add3A_358 = arith.constant 0x4B400000 : f32
    %add3A_359 = vector.broadcast %add3A_358 : f32 to vector<16xf32>
    %add3A_360 = arith.addf %mul3A_357, %add3A_359 : vector<16xf32>
    %sub3A_361 = arith.constant 0x4B400000 : f32
    %sub3A_362 = vector.broadcast %sub3A_361 : f32 to vector<16xf32>
    %sub3A_363 = arith.subf %add3A_360, %sub3A_362 : vector<16xf32>
    %convert_element_type3A_364 = arith.fptosi %sub3A_363 : vector<16xf32> to vector<16xi32>
    %sub3A_365 = arith.constant 1 : i32
    %sub3A_366 = vector.broadcast %sub3A_365 : i32 to vector<16xi32>
    %sub3A_367 = arith.subi %convert_element_type3A_364, %sub3A_366 : vector<16xi32>
    %swap3A_368 = arith.constant 112 : index
    %swap3A_369 = tpu.vector_load %arg8[%swap3A_368] {strides = array<i32>} : memref<128xi32, #tpu.memory_space<vmem>>, vector<16xi32>,
    %swap3A_370 = vector.shape_cast %swap3A_369 : vector<16xi32> to vector<16xi32>
    %swap3A_371 = vector.shape_cast %sub3A_367 : vector<16xi32> to vector<16xi32>
    tpu.vector_store %arg8[%swap3A_368], %swap3A_371 {strides = array<i32>} : memref<128xi32, #tpu.memory_space<vmem>>, vector<16xi32>,
    %dma_start3A_372 = arith.constant 0 : i32
    %dma_start3A_373 = arith.constant 0 : i32
    %dma_start3A_374 = tpu.memref_slice %arg3[%dma_start3A_372, %dma_start3A_373] : memref<5000x256xf32, #tpu.memory_space<hbm>> -> memref<5000x256xf32, #tpu.memory_space<hbm>>
    tpu.enqueue_indirect_dma source(%dma_start3A_374 : memref<5000x256xf32, #tpu.memory_space<hbm>>) target(%arg10 : memref<128x256xf32, #tpu.memory_space<vmem>>) offsets(%arg8 : memref<128xi32, #tpu.memory_space<vmem>>) semaphore(%arg12 : memref<!tpu.dma_semaphore, #tpu.memory_space<semaphore_mem>>)
    %scan3A = arith.constant 0 : i32
    %scan3A_375 = arith.constant 0 : i32
    %scan3A_376 = arith.constant 50 : i32
    %scan3A_377 = arith.addi %scan3A_375, %scan3A_376 : i32
    %scan3A_378 = arith.constant 1 : i32
    scf.for %scan3A_380 = %scan3A_375 to %scan3A_377 step %scan3A_378  : i32 {
      %mul3A_381 = arith.constant 2 : i32
      %mul3A_382 = arith.muli %scan3A_380, %mul3A_381 : i32
      %dma_wait3A = arith.constant 0 : i32
      %dma_wait3A_383 = arith.constant 0 : i32
      %dma_wait3A_384 = tpu.memref_slice %arg3[%dma_wait3A, %dma_wait3A_383] : memref<5000x256xf32, #tpu.memory_space<hbm>> -> memref<5000x256xf32, #tpu.memory_space<hbm>>
      tpu.wait_indirect_dma semaphore(%arg11 : memref<!tpu.dma_semaphore, #tpu.memory_space<semaphore_mem>>) src(%dma_wait3A_384 : memref<5000x256xf32, #tpu.memory_space<hbm>>) dst(%arg9 : memref<128x256xf32, #tpu.memory_space<vmem>>)
      %add3A_385 = arith.constant 0 : i32
      %add3A_386 = arith.addi %mul3A_382, %add3A_385 : i32
      %mul3A_387 = arith.constant 128 : i32
      %mul3A_388 = arith.muli %add3A_386, %mul3A_387 : i32
      %add3A_389 = arith.addi %mul3A_2, %mul3A_388 : i32
      %dma_start3A_390 = arith.constant 0 : i32
      %dma_start3A_391 = tpu.memref_slice %arg4[%add3A_389, %dma_start3A_390] : memref<409600x256xf32, #tpu.memory_space<hbm>> -> memref<128x256xf32, #tpu.memory_space<hbm>>
      %dma_start3A_392 = arith.constant 0 : i32
      %dma_start3A_393 = tpu.memref_slice %arg4[%add3A_389, %dma_start3A_392] : memref<409600x256xf32, #tpu.memory_space<hbm>> -> memref<128x256xf32, #tpu.memory_space<hbm>>
      tpu.enqueue_dma source(%arg9 : memref<128x256xf32, #tpu.memory_space<vmem>>) target(%dma_start3A_393 : memref<128x256xf32, #tpu.memory_space<hbm>>) target_semaphore(%arg13 : memref<!tpu.dma_semaphore, #tpu.memory_space<semaphore_mem>>)
      %dma_wait3A_394 = arith.constant 0 : i32
      %dma_wait3A_395 = arith.constant 0 : i32
      %dma_wait3A_396 = tpu.memref_slice %arg3[%dma_wait3A_394, %dma_wait3A_395] : memref<5000x256xf32, #tpu.memory_space<hbm>> -> memref<5000x256xf32, #tpu.memory_space<hbm>>
      tpu.wait_indirect_dma semaphore(%arg12 : memref<!tpu.dma_semaphore, #tpu.memory_space<semaphore_mem>>) src(%dma_wait3A_396 : memref<5000x256xf32, #tpu.memory_space<hbm>>) dst(%arg10 : memref<128x256xf32, #tpu.memory_space<vmem>>)
      %add3A_397 = arith.constant 1 : i32
      %add3A_398 = arith.addi %mul3A_382, %add3A_397 : i32
      %mul3A_399 = arith.constant 128 : i32
      %mul3A_400 = arith.muli %add3A_398, %mul3A_399 : i32
      %add3A_401 = arith.addi %mul3A_2, %mul3A_400 : i32
      %dma_start3A_402 = arith.constant 0 : i32
      %dma_start3A_403 = tpu.memref_slice %arg4[%add3A_401, %dma_start3A_402] : memref<409600x256xf32, #tpu.memory_space<hbm>> -> memref<128x256xf32, #tpu.memory_space<hbm>>
      %dma_start3A_404 = arith.constant 0 : i32
      %dma_start3A_405 = tpu.memref_slice %arg4[%add3A_401, %dma_start3A_404] : memref<409600x256xf32, #tpu.memory_space<hbm>> -> memref<128x256xf32, #tpu.memory_space<hbm>>
      tpu.enqueue_dma source(%arg10 : memref<128x256xf32, #tpu.memory_space<vmem>>) target(%dma_start3A_405 : memref<128x256xf32, #tpu.memory_space<hbm>>) target_semaphore(%arg14 : memref<!tpu.dma_semaphore, #tpu.memory_space<semaphore_mem>>)
      %dma_wait3A_406 = arith.constant 0 : i32
      %dma_wait3A_407 = tpu.memref_slice %arg4[%mul3A_2, %dma_wait3A_406] : memref<409600x256xf32, #tpu.memory_space<hbm>> -> memref<128x256xf32, #tpu.memory_space<hbm>>
      %dma_wait3A_408 = arith.constant 0 : i32
      %dma_wait3A_409 = tpu.memref_slice %arg4[%mul3A_2, %dma_wait3A_408] : memref<409600x256xf32, #tpu.memory_space<hbm>> -> memref<128x256xf32, #tpu.memory_space<hbm>>
      tpu.wait_dma2 semaphore(%arg13 : memref<!tpu.dma_semaphore, #tpu.memory_space<semaphore_mem>>) src(%arg9 : memref<128x256xf32, #tpu.memory_space<vmem>>) dst(%dma_wait3A_409 : memref<128x256xf32, #tpu.memory_space<hbm>>)
      %lt3A = arith.constant 49 : i32
      %lt3A_410 = arith.cmpi slt, %scan3A_380, %lt3A : i32
      %convert_element_type3A_411 = arith.extui %lt3A_410 : i1 to i32
      %cond3A = arith.constant 0 : i32
      %cond3A_412 = arith.cmpi ne, %convert_element_type3A_411, %cond3A : i32
      scf.if %cond3A_412 {
        %add3A_422 = arith.constant 2 : i32
        %add3A_423 = arith.addi %mul3A_382, %add3A_422 : i32
        %add3A_424 = arith.constant 0 : i32
        %add3A_425 = arith.addi %add3A_423, %add3A_424 : i32
        %mul3A_426 = arith.constant 128 : i32
        %mul3A_427 = arith.muli %add3A_425, %mul3A_426 : i32
        %add3A_428 = arith.addi %mul3A_2, %mul3A_427 : i32
        "tpu.region"() ({
          %run_scoped3A = tpu.sem_alloc : memref<!tpu.dma_semaphore, #tpu.memory_space<semaphore_mem>>
          %dma_start3A_616 = tpu.memref_slice %arg2[%add3A_428] : memref<409600xf32, #tpu.memory_space<hbm>> -> memref<128xf32, #tpu.memory_space<hbm>>
          %dma_start3A_617 = tpu.memref_slice %arg2[%add3A_428] : memref<409600xf32, #tpu.memory_space<hbm>> -> memref<128xf32, #tpu.memory_space<hbm>>
          tpu.enqueue_dma source(%dma_start3A_617 : memref<128xf32, #tpu.memory_space<hbm>>) target(%arg5 : memref<128xf32, #tpu.memory_space<vmem>>) target_semaphore(%run_scoped3A : memref<!tpu.dma_semaphore, #tpu.memory_space<semaphore_mem>>)
          %dma_wait3A_618 = tpu.memref_slice %arg2[%add3A_428] : memref<409600xf32, #tpu.memory_space<hbm>> -> memref<128xf32, #tpu.memory_space<hbm>>
          %dma_wait3A_619 = tpu.memref_slice %arg2[%add3A_428] : memref<409600xf32, #tpu.memory_space<hbm>> -> memref<128xf32, #tpu.memory_space<hbm>>
          tpu.wait_dma2 semaphore(%run_scoped3A : memref<!tpu.dma_semaphore, #tpu.memory_space<semaphore_mem>>) src(%dma_wait3A_619 : memref<128xf32, #tpu.memory_space<hbm>>) dst(%arg5 : memref<128xf32, #tpu.memory_space<vmem>>)
          tpu.yield
        }) : () -> ()
        %get3A_429 = arith.constant 0 : index
        %get3A_430 = tpu.vector_load %arg5[%get3A_429] {strides = array<i32>} : memref<128xf32, #tpu.memory_space<vmem>>, vector<16xf32>,
        %get3A_431 = vector.shape_cast %get3A_430 : vector<16xf32> to vector<16xf32>
        %max3A_432 = arith.constant 2.000000e-04 : f32
        %max3A_433 = vector.broadcast %max3A_432 : f32 to vector<16xf32>
        %max3A_434 = arith.maximumf %get3A_431, %max3A_433 : vector<16xf32>
        %mul3A_435 = arith.constant 5.000000e+03 : f32
        %mul3A_436 = vector.broadcast %mul3A_435 : f32 to vector<16xf32>
        %mul3A_437 = arith.mulf %max3A_434, %mul3A_436 : vector<16xf32>
        %add3A_438 = arith.constant 0x4B400000 : f32
        %add3A_439 = vector.broadcast %add3A_438 : f32 to vector<16xf32>
        %add3A_440 = arith.addf %mul3A_437, %add3A_439 : vector<16xf32>
        %sub3A_441 = arith.constant 0x4B400000 : f32
        %sub3A_442 = vector.broadcast %sub3A_441 : f32 to vector<16xf32>
        %sub3A_443 = arith.subf %add3A_440, %sub3A_442 : vector<16xf32>
        %convert_element_type3A_444 = arith.fptosi %sub3A_443 : vector<16xf32> to vector<16xi32>
        %sub3A_445 = arith.constant 1 : i32
        %sub3A_446 = vector.broadcast %sub3A_445 : i32 to vector<16xi32>
        %sub3A_447 = arith.subi %convert_element_type3A_444, %sub3A_446 : vector<16xi32>
        %swap3A_448 = arith.constant 0 : index
        %swap3A_449 = tpu.vector_load %arg7[%swap3A_448] {strides = array<i32>} : memref<128xi32, #tpu.memory_space<vmem>>, vector<16xi32>,
        %swap3A_450 = vector.shape_cast %swap3A_449 : vector<16xi32> to vector<16xi32>
        %swap3A_451 = vector.shape_cast %sub3A_447 : vector<16xi32> to vector<16xi32>
        tpu.vector_store %arg7[%swap3A_448], %swap3A_451 {strides = array<i32>} : memref<128xi32, #tpu.memory_space<vmem>>, vector<16xi32>,
        %get3A_452 = arith.constant 16 : index
        %get3A_453 = tpu.vector_load %arg5[%get3A_452] {strides = array<i32>} : memref<128xf32, #tpu.memory_space<vmem>>, vector<16xf32>,
        %get3A_454 = vector.shape_cast %get3A_453 : vector<16xf32> to vector<16xf32>
        %max3A_455 = arith.constant 2.000000e-04 : f32
        %max3A_456 = vector.broadcast %max3A_455 : f32 to vector<16xf32>
        %max3A_457 = arith.maximumf %get3A_454, %max3A_456 : vector<16xf32>
        %mul3A_458 = arith.constant 5.000000e+03 : f32
        %mul3A_459 = vector.broadcast %mul3A_458 : f32 to vector<16xf32>
        %mul3A_460 = arith.mulf %max3A_457, %mul3A_459 : vector<16xf32>
        %add3A_461 = arith.constant 0x4B400000 : f32
        %add3A_462 = vector.broadcast %add3A_461 : f32 to vector<16xf32>
        %add3A_463 = arith.addf %mul3A_460, %add3A_462 : vector<16xf32>
        %sub3A_464 = arith.constant 0x4B400000 : f32
        %sub3A_465 = vector.broadcast %sub3A_464 : f32 to vector<16xf32>
        %sub3A_466 = arith.subf %add3A_463, %sub3A_465 : vector<16xf32>
        %convert_element_type3A_467 = arith.fptosi %sub3A_466 : vector<16xf32> to vector<16xi32>
        %sub3A_468 = arith.constant 1 : i32
        %sub3A_469 = vector.broadcast %sub3A_468 : i32 to vector<16xi32>
        %sub3A_470 = arith.subi %convert_element_type3A_467, %sub3A_469 : vector<16xi32>
        %swap3A_471 = arith.constant 16 : index
        %swap3A_472 = tpu.vector_load %arg7[%swap3A_471] {strides = array<i32>} : memref<128xi32, #tpu.memory_space<vmem>>, vector<16xi32>,
        %swap3A_473 = vector.shape_cast %swap3A_472 : vector<16xi32> to vector<16xi32>
        %swap3A_474 = vector.shape_cast %sub3A_470 : vector<16xi32> to vector<16xi32>
        tpu.vector_store %arg7[%swap3A_471], %swap3A_474 {strides = array<i32>} : memref<128xi32, #tpu.memory_space<vmem>>, vector<16xi32>,
        %get3A_475 = arith.constant 32 : index
        %get3A_476 = tpu.vector_load %arg5[%get3A_475] {strides = array<i32>} : memref<128xf32, #tpu.memory_space<vmem>>, vector<16xf32>,
        %get3A_477 = vector.shape_cast %get3A_476 : vector<16xf32> to vector<16xf32>
        %max3A_478 = arith.constant 2.000000e-04 : f32
        %max3A_479 = vector.broadcast %max3A_478 : f32 to vector<16xf32>
        %max3A_480 = arith.maximumf %get3A_477, %max3A_479 : vector<16xf32>
        %mul3A_481 = arith.constant 5.000000e+03 : f32
        %mul3A_482 = vector.broadcast %mul3A_481 : f32 to vector<16xf32>
        %mul3A_483 = arith.mulf %max3A_480, %mul3A_482 : vector<16xf32>
        %add3A_484 = arith.constant 0x4B400000 : f32
        %add3A_485 = vector.broadcast %add3A_484 : f32 to vector<16xf32>
        %add3A_486 = arith.addf %mul3A_483, %add3A_485 : vector<16xf32>
        %sub3A_487 = arith.constant 0x4B400000 : f32
        %sub3A_488 = vector.broadcast %sub3A_487 : f32 to vector<16xf32>
        %sub3A_489 = arith.subf %add3A_486, %sub3A_488 : vector<16xf32>
        %convert_element_type3A_490 = arith.fptosi %sub3A_489 : vector<16xf32> to vector<16xi32>
        %sub3A_491 = arith.constant 1 : i32
        %sub3A_492 = vector.broadcast %sub3A_491 : i32 to vector<16xi32>
        %sub3A_493 = arith.subi %convert_element_type3A_490, %sub3A_492 : vector<16xi32>
        %swap3A_494 = arith.constant 32 : index
        %swap3A_495 = tpu.vector_load %arg7[%swap3A_494] {strides = array<i32>} : memref<128xi32, #tpu.memory_space<vmem>>, vector<16xi32>,
        %swap3A_496 = vector.shape_cast %swap3A_495 : vector<16xi32> to vector<16xi32>
        %swap3A_497 = vector.shape_cast %sub3A_493 : vector<16xi32> to vector<16xi32>
        tpu.vector_store %arg7[%swap3A_494], %swap3A_497 {strides = array<i32>} : memref<128xi32, #tpu.memory_space<vmem>>, vector<16xi32>,
        %get3A_498 = arith.constant 48 : index
        %get3A_499 = tpu.vector_load %arg5[%get3A_498] {strides = array<i32>} : memref<128xf32, #tpu.memory_space<vmem>>, vector<16xf32>,
        %get3A_500 = vector.shape_cast %get3A_499 : vector<16xf32> to vector<16xf32>
        %max3A_501 = arith.constant 2.000000e-04 : f32
        %max3A_502 = vector.broadcast %max3A_501 : f32 to vector<16xf32>
        %max3A_503 = arith.maximumf %get3A_500, %max3A_502 : vector<16xf32>
        %mul3A_504 = arith.constant 5.000000e+03 : f32
        %mul3A_505 = vector.broadcast %mul3A_504 : f32 to vector<16xf32>
        %mul3A_506 = arith.mulf %max3A_503, %mul3A_505 : vector<16xf32>
        %add3A_507 = arith.constant 0x4B400000 : f32
        %add3A_508 = vector.broadcast %add3A_507 : f32 to vector<16xf32>
        %add3A_509 = arith.addf %mul3A_506, %add3A_508 : vector<16xf32>
        %sub3A_510 = arith.constant 0x4B400000 : f32
        %sub3A_511 = vector.broadcast %sub3A_510 : f32 to vector<16xf32>
        %sub3A_512 = arith.subf %add3A_509, %sub3A_511 : vector<16xf32>
        %convert_element_type3A_513 = arith.fptosi %sub3A_512 : vector<16xf32> to vector<16xi32>
        %sub3A_514 = arith.constant 1 : i32
        %sub3A_515 = vector.broadcast %sub3A_514 : i32 to vector<16xi32>
        %sub3A_516 = arith.subi %convert_element_type3A_513, %sub3A_515 : vector<16xi32>
        %swap3A_517 = arith.constant 48 : index
        %swap3A_518 = tpu.vector_load %arg7[%swap3A_517] {strides = array<i32>} : memref<128xi32, #tpu.memory_space<vmem>>, vector<16xi32>,
        %swap3A_519 = vector.shape_cast %swap3A_518 : vector<16xi32> to vector<16xi32>
        %swap3A_520 = vector.shape_cast %sub3A_516 : vector<16xi32> to vector<16xi32>
        tpu.vector_store %arg7[%swap3A_517], %swap3A_520 {strides = array<i32>} : memref<128xi32, #tpu.memory_space<vmem>>, vector<16xi32>,
        %get3A_521 = arith.constant 64 : index
        %get3A_522 = tpu.vector_load %arg5[%get3A_521] {strides = array<i32>} : memref<128xf32, #tpu.memory_space<vmem>>, vector<16xf32>,
        %get3A_523 = vector.shape_cast %get3A_522 : vector<16xf32> to vector<16xf32>
        %max3A_524 = arith.constant 2.000000e-04 : f32
        %max3A_525 = vector.broadcast %max3A_524 : f32 to vector<16xf32>
        %max3A_526 = arith.maximumf %get3A_523, %max3A_525 : vector<16xf32>
        %mul3A_527 = arith.constant 5.000000e+03 : f32
        %mul3A_528 = vector.broadcast %mul3A_527 : f32 to vector<16xf32>
        %mul3A_529 = arith.mulf %max3A_526, %mul3A_528 : vector<16xf32>
        %add3A_530 = arith.constant 0x4B400000 : f32
        %add3A_531 = vector.broadcast %add3A_530 : f32 to vector<16xf32>
        %add3A_532 = arith.addf %mul3A_529, %add3A_531 : vector<16xf32>
        %sub3A_533 = arith.constant 0x4B400000 : f32
        %sub3A_534 = vector.broadcast %sub3A_533 : f32 to vector<16xf32>
        %sub3A_535 = arith.subf %add3A_532, %sub3A_534 : vector<16xf32>
        %convert_element_type3A_536 = arith.fptosi %sub3A_535 : vector<16xf32> to vector<16xi32>
        %sub3A_537 = arith.constant 1 : i32
        %sub3A_538 = vector.broadcast %sub3A_537 : i32 to vector<16xi32>
        %sub3A_539 = arith.subi %convert_element_type3A_536, %sub3A_538 : vector<16xi32>
        %swap3A_540 = arith.constant 64 : index
        %swap3A_541 = tpu.vector_load %arg7[%swap3A_540] {strides = array<i32>} : memref<128xi32, #tpu.memory_space<vmem>>, vector<16xi32>,
        %swap3A_542 = vector.shape_cast %swap3A_541 : vector<16xi32> to vector<16xi32>
        %swap3A_543 = vector.shape_cast %sub3A_539 : vector<16xi32> to vector<16xi32>
        tpu.vector_store %arg7[%swap3A_540], %swap3A_543 {strides = array<i32>} : memref<128xi32, #tpu.memory_space<vmem>>, vector<16xi32>,
        %get3A_544 = arith.constant 80 : index
        %get3A_545 = tpu.vector_load %arg5[%get3A_544] {strides = array<i32>} : memref<128xf32, #tpu.memory_space<vmem>>, vector<16xf32>,
        %get3A_546 = vector.shape_cast %get3A_545 : vector<16xf32> to vector<16xf32>
        %max3A_547 = arith.constant 2.000000e-04 : f32
        %max3A_548 = vector.broadcast %max3A_547 : f32 to vector<16xf32>
        %max3A_549 = arith.maximumf %get3A_546, %max3A_548 : vector<16xf32>
        %mul3A_550 = arith.constant 5.000000e+03 : f32
        %mul3A_551 = vector.broadcast %mul3A_550 : f32 to vector<16xf32>
        %mul3A_552 = arith.mulf %max3A_549, %mul3A_551 : vector<16xf32>
        %add3A_553 = arith.constant 0x4B400000 : f32
        %add3A_554 = vector.broadcast %add3A_553 : f32 to vector<16xf32>
        %add3A_555 = arith.addf %mul3A_552, %add3A_554 : vector<16xf32>
        %sub3A_556 = arith.constant 0x4B400000 : f32
        %sub3A_557 = vector.broadcast %sub3A_556 : f32 to vector<16xf32>
        %sub3A_558 = arith.subf %add3A_555, %sub3A_557 : vector<16xf32>
        %convert_element_type3A_559 = arith.fptosi %sub3A_558 : vector<16xf32> to vector<16xi32>
        %sub3A_560 = arith.constant 1 : i32
        %sub3A_561 = vector.broadcast %sub3A_560 : i32 to vector<16xi32>
        %sub3A_562 = arith.subi %convert_element_type3A_559, %sub3A_561 : vector<16xi32>
        %swap3A_563 = arith.constant 80 : index
        %swap3A_564 = tpu.vector_load %arg7[%swap3A_563] {strides = array<i32>} : memref<128xi32, #tpu.memory_space<vmem>>, vector<16xi32>,
        %swap3A_565 = vector.shape_cast %swap3A_564 : vector<16xi32> to vector<16xi32>
        %swap3A_566 = vector.shape_cast %sub3A_562 : vector<16xi32> to vector<16xi32>
        tpu.vector_store %arg7[%swap3A_563], %swap3A_566 {strides = array<i32>} : memref<128xi32, #tpu.memory_space<vmem>>, vector<16xi32>,
        %get3A_567 = arith.constant 96 : index
        %get3A_568 = tpu.vector_load %arg5[%get3A_567] {strides = array<i32>} : memref<128xf32, #tpu.memory_space<vmem>>, vector<16xf32>,
        %get3A_569 = vector.shape_cast %get3A_568 : vector<16xf32> to vector<16xf32>
        %max3A_570 = arith.constant 2.000000e-04 : f32
        %max3A_571 = vector.broadcast %max3A_570 : f32 to vector<16xf32>
        %max3A_572 = arith.maximumf %get3A_569, %max3A_571 : vector<16xf32>
        %mul3A_573 = arith.constant 5.000000e+03 : f32
        %mul3A_574 = vector.broadcast %mul3A_573 : f32 to vector<16xf32>
        %mul3A_575 = arith.mulf %max3A_572, %mul3A_574 : vector<16xf32>
        %add3A_576 = arith.constant 0x4B400000 : f32
        %add3A_577 = vector.broadcast %add3A_576 : f32 to vector<16xf32>
        %add3A_578 = arith.addf %mul3A_575, %add3A_577 : vector<16xf32>
        %sub3A_579 = arith.constant 0x4B400000 : f32
        %sub3A_580 = vector.broadcast %sub3A_579 : f32 to vector<16xf32>
        %sub3A_581 = arith.subf %add3A_578, %sub3A_580 : vector<16xf32>
        %convert_element_type3A_582 = arith.fptosi %sub3A_581 : vector<16xf32> to vector<16xi32>
        %sub3A_583 = arith.constant 1 : i32
        %sub3A_584 = vector.broadcast %sub3A_583 : i32 to vector<16xi32>
        %sub3A_585 = arith.subi %convert_element_type3A_582, %sub3A_584 : vector<16xi32>
        %swap3A_586 = arith.constant 96 : index
        %swap3A_587 = tpu.vector_load %arg7[%swap3A_586] {strides = array<i32>} : memref<128xi32, #tpu.memory_space<vmem>>, vector<16xi32>,
        %swap3A_588 = vector.shape_cast %swap3A_587 : vector<16xi32> to vector<16xi32>
        %swap3A_589 = vector.shape_cast %sub3A_585 : vector<16xi32> to vector<16xi32>
        tpu.vector_store %arg7[%swap3A_586], %swap3A_589 {strides = array<i32>} : memref<128xi32, #tpu.memory_space<vmem>>, vector<16xi32>,
        %get3A_590 = arith.constant 112 : index
        %get3A_591 = tpu.vector_load %arg5[%get3A_590] {strides = array<i32>} : memref<128xf32, #tpu.memory_space<vmem>>, vector<16xf32>,
        %get3A_592 = vector.shape_cast %get3A_591 : vector<16xf32> to vector<16xf32>
        %max3A_593 = arith.constant 2.000000e-04 : f32
        %max3A_594 = vector.broadcast %max3A_593 : f32 to vector<16xf32>
        %max3A_595 = arith.maximumf %get3A_592, %max3A_594 : vector<16xf32>
        %mul3A_596 = arith.constant 5.000000e+03 : f32
        %mul3A_597 = vector.broadcast %mul3A_596 : f32 to vector<16xf32>
        %mul3A_598 = arith.mulf %max3A_595, %mul3A_597 : vector<16xf32>
        %add3A_599 = arith.constant 0x4B400000 : f32
        %add3A_600 = vector.broadcast %add3A_599 : f32 to vector<16xf32>
        %add3A_601 = arith.addf %mul3A_598, %add3A_600 : vector<16xf32>
        %sub3A_602 = arith.constant 0x4B400000 : f32
        %sub3A_603 = vector.broadcast %sub3A_602 : f32 to vector<16xf32>
        %sub3A_604 = arith.subf %add3A_601, %sub3A_603 : vector<16xf32>
        %convert_element_type3A_605 = arith.fptosi %sub3A_604 : vector<16xf32> to vector<16xi32>
        %sub3A_606 = arith.constant 1 : i32
        %sub3A_607 = vector.broadcast %sub3A_606 : i32 to vector<16xi32>
        %sub3A_608 = arith.subi %convert_element_type3A_605, %sub3A_607 : vector<16xi32>
        %swap3A_609 = arith.constant 112 : index
        %swap3A_610 = tpu.vector_load %arg7[%swap3A_609] {strides = array<i32>} : memref<128xi32, #tpu.memory_space<vmem>>, vector<16xi32>,
        %swap3A_611 = vector.shape_cast %swap3A_610 : vector<16xi32> to vector<16xi32>
        %swap3A_612 = vector.shape_cast %sub3A_608 : vector<16xi32> to vector<16xi32>
        tpu.vector_store %arg7[%swap3A_609], %swap3A_612 {strides = array<i32>} : memref<128xi32, #tpu.memory_space<vmem>>, vector<16xi32>,
        %dma_start3A_613 = arith.constant 0 : i32
        %dma_start3A_614 = arith.constant 0 : i32
        %dma_start3A_615 = tpu.memref_slice %arg3[%dma_start3A_613, %dma_start3A_614] : memref<5000x256xf32, #tpu.memory_space<hbm>> -> memref<5000x256xf32, #tpu.memory_space<hbm>>
        tpu.enqueue_indirect_dma source(%dma_start3A_615 : memref<5000x256xf32, #tpu.memory_space<hbm>>) target(%arg9 : memref<128x256xf32, #tpu.memory_space<vmem>>) offsets(%arg7 : memref<128xi32, #tpu.memory_space<vmem>>) semaphore(%arg11 : memref<!tpu.dma_semaphore, #tpu.memory_space<semaphore_mem>>)
      } else {
      }
      %dma_wait3A_413 = arith.constant 0 : i32
      %dma_wait3A_414 = tpu.memref_slice %arg4[%mul3A_2, %dma_wait3A_413] : memref<409600x256xf32, #tpu.memory_space<hbm>> -> memref<128x256xf32, #tpu.memory_space<hbm>>
      %dma_wait3A_415 = arith.constant 0 : i32
      %dma_wait3A_416 = tpu.memref_slice %arg4[%mul3A_2, %dma_wait3A_415] : memref<409600x256xf32, #tpu.memory_space<hbm>> -> memref<128x256xf32, #tpu.memory_space<hbm>>
      tpu.wait_dma2 semaphore(%arg14 : memref<!tpu.dma_semaphore, #tpu.memory_space<semaphore_mem>>) src(%arg10 : memref<128x256xf32, #tpu.memory_space<vmem>>) dst(%dma_wait3A_416 : memref<128x256xf32, #tpu.memory_space<hbm>>)
      %lt3A_417 = arith.constant 49 : i32
      %lt3A_418 = arith.cmpi slt, %scan3A_380, %lt3A_417 : i32
      %convert_element_type3A_419 = arith.extui %lt3A_418 : i1 to i32
      %cond3A_420 = arith.constant 0 : i32
      %cond3A_421 = arith.cmpi ne, %convert_element_type3A_419, %cond3A_420 : i32
      scf.if %cond3A_421 {
        %add3A_422 = arith.constant 2 : i32
        %add3A_423 = arith.addi %mul3A_382, %add3A_422 : i32
        %add3A_424 = arith.constant 1 : i32
        %add3A_425 = arith.addi %add3A_423, %add3A_424 : i32
        %mul3A_426 = arith.constant 128 : i32
        %mul3A_427 = arith.muli %add3A_425, %mul3A_426 : i32
        %add3A_428 = arith.addi %mul3A_2, %mul3A_427 : i32
        "tpu.region"() ({
          %run_scoped3A = tpu.sem_alloc : memref<!tpu.dma_semaphore, #tpu.memory_space<semaphore_mem>>
          %dma_start3A_616 = tpu.memref_slice %arg2[%add3A_428] : memref<409600xf32, #tpu.memory_space<hbm>> -> memref<128xf32, #tpu.memory_space<hbm>>
          %dma_start3A_617 = tpu.memref_slice %arg2[%add3A_428] : memref<409600xf32, #tpu.memory_space<hbm>> -> memref<128xf32, #tpu.memory_space<hbm>>
          tpu.enqueue_dma source(%dma_start3A_617 : memref<128xf32, #tpu.memory_space<hbm>>) target(%arg6 : memref<128xf32, #tpu.memory_space<vmem>>) target_semaphore(%run_scoped3A : memref<!tpu.dma_semaphore, #tpu.memory_space<semaphore_mem>>)
          %dma_wait3A_618 = tpu.memref_slice %arg2[%add3A_428] : memref<409600xf32, #tpu.memory_space<hbm>> -> memref<128xf32, #tpu.memory_space<hbm>>
          %dma_wait3A_619 = tpu.memref_slice %arg2[%add3A_428] : memref<409600xf32, #tpu.memory_space<hbm>> -> memref<128xf32, #tpu.memory_space<hbm>>
          tpu.wait_dma2 semaphore(%run_scoped3A : memref<!tpu.dma_semaphore, #tpu.memory_space<semaphore_mem>>) src(%dma_wait3A_619 : memref<128xf32, #tpu.memory_space<hbm>>) dst(%arg6 : memref<128xf32, #tpu.memory_space<vmem>>)
          tpu.yield
        }) : () -> ()
        %get3A_429 = arith.constant 0 : index
        %get3A_430 = tpu.vector_load %arg6[%get3A_429] {strides = array<i32>} : memref<128xf32, #tpu.memory_space<vmem>>, vector<16xf32>,
        %get3A_431 = vector.shape_cast %get3A_430 : vector<16xf32> to vector<16xf32>
        %max3A_432 = arith.constant 2.000000e-04 : f32
        %max3A_433 = vector.broadcast %max3A_432 : f32 to vector<16xf32>
        %max3A_434 = arith.maximumf %get3A_431, %max3A_433 : vector<16xf32>
        %mul3A_435 = arith.constant 5.000000e+03 : f32
        %mul3A_436 = vector.broadcast %mul3A_435 : f32 to vector<16xf32>
        %mul3A_437 = arith.mulf %max3A_434, %mul3A_436 : vector<16xf32>
        %add3A_438 = arith.constant 0x4B400000 : f32
        %add3A_439 = vector.broadcast %add3A_438 : f32 to vector<16xf32>
        %add3A_440 = arith.addf %mul3A_437, %add3A_439 : vector<16xf32>
        %sub3A_441 = arith.constant 0x4B400000 : f32
        %sub3A_442 = vector.broadcast %sub3A_441 : f32 to vector<16xf32>
        %sub3A_443 = arith.subf %add3A_440, %sub3A_442 : vector<16xf32>
        %convert_element_type3A_444 = arith.fptosi %sub3A_443 : vector<16xf32> to vector<16xi32>
        %sub3A_445 = arith.constant 1 : i32
        %sub3A_446 = vector.broadcast %sub3A_445 : i32 to vector<16xi32>
        %sub3A_447 = arith.subi %convert_element_type3A_444, %sub3A_446 : vector<16xi32>
        %swap3A_448 = arith.constant 0 : index
        %swap3A_449 = tpu.vector_load %arg8[%swap3A_448] {strides = array<i32>} : memref<128xi32, #tpu.memory_space<vmem>>, vector<16xi32>,
        %swap3A_450 = vector.shape_cast %swap3A_449 : vector<16xi32> to vector<16xi32>
        %swap3A_451 = vector.shape_cast %sub3A_447 : vector<16xi32> to vector<16xi32>
        tpu.vector_store %arg8[%swap3A_448], %swap3A_451 {strides = array<i32>} : memref<128xi32, #tpu.memory_space<vmem>>, vector<16xi32>,
        %get3A_452 = arith.constant 16 : index
        %get3A_453 = tpu.vector_load %arg6[%get3A_452] {strides = array<i32>} : memref<128xf32, #tpu.memory_space<vmem>>, vector<16xf32>,
        %get3A_454 = vector.shape_cast %get3A_453 : vector<16xf32> to vector<16xf32>
        %max3A_455 = arith.constant 2.000000e-04 : f32
        %max3A_456 = vector.broadcast %max3A_455 : f32 to vector<16xf32>
        %max3A_457 = arith.maximumf %get3A_454, %max3A_456 : vector<16xf32>
        %mul3A_458 = arith.constant 5.000000e+03 : f32
        %mul3A_459 = vector.broadcast %mul3A_458 : f32 to vector<16xf32>
        %mul3A_460 = arith.mulf %max3A_457, %mul3A_459 : vector<16xf32>
        %add3A_461 = arith.constant 0x4B400000 : f32
        %add3A_462 = vector.broadcast %add3A_461 : f32 to vector<16xf32>
        %add3A_463 = arith.addf %mul3A_460, %add3A_462 : vector<16xf32>
        %sub3A_464 = arith.constant 0x4B400000 : f32
        %sub3A_465 = vector.broadcast %sub3A_464 : f32 to vector<16xf32>
        %sub3A_466 = arith.subf %add3A_463, %sub3A_465 : vector<16xf32>
        %convert_element_type3A_467 = arith.fptosi %sub3A_466 : vector<16xf32> to vector<16xi32>
        %sub3A_468 = arith.constant 1 : i32
        %sub3A_469 = vector.broadcast %sub3A_468 : i32 to vector<16xi32>
        %sub3A_470 = arith.subi %convert_element_type3A_467, %sub3A_469 : vector<16xi32>
        %swap3A_471 = arith.constant 16 : index
        %swap3A_472 = tpu.vector_load %arg8[%swap3A_471] {strides = array<i32>} : memref<128xi32, #tpu.memory_space<vmem>>, vector<16xi32>,
        %swap3A_473 = vector.shape_cast %swap3A_472 : vector<16xi32> to vector<16xi32>
        %swap3A_474 = vector.shape_cast %sub3A_470 : vector<16xi32> to vector<16xi32>
        tpu.vector_store %arg8[%swap3A_471], %swap3A_474 {strides = array<i32>} : memref<128xi32, #tpu.memory_space<vmem>>, vector<16xi32>,
        %get3A_475 = arith.constant 32 : index
        %get3A_476 = tpu.vector_load %arg6[%get3A_475] {strides = array<i32>} : memref<128xf32, #tpu.memory_space<vmem>>, vector<16xf32>,
        %get3A_477 = vector.shape_cast %get3A_476 : vector<16xf32> to vector<16xf32>
        %max3A_478 = arith.constant 2.000000e-04 : f32
        %max3A_479 = vector.broadcast %max3A_478 : f32 to vector<16xf32>
        %max3A_480 = arith.maximumf %get3A_477, %max3A_479 : vector<16xf32>
        %mul3A_481 = arith.constant 5.000000e+03 : f32
        %mul3A_482 = vector.broadcast %mul3A_481 : f32 to vector<16xf32>
        %mul3A_483 = arith.mulf %max3A_480, %mul3A_482 : vector<16xf32>
        %add3A_484 = arith.constant 0x4B400000 : f32
        %add3A_485 = vector.broadcast %add3A_484 : f32 to vector<16xf32>
        %add3A_486 = arith.addf %mul3A_483, %add3A_485 : vector<16xf32>
        %sub3A_487 = arith.constant 0x4B400000 : f32
        %sub3A_488 = vector.broadcast %sub3A_487 : f32 to vector<16xf32>
        %sub3A_489 = arith.subf %add3A_486, %sub3A_488 : vector<16xf32>
        %convert_element_type3A_490 = arith.fptosi %sub3A_489 : vector<16xf32> to vector<16xi32>
        %sub3A_491 = arith.constant 1 : i32
        %sub3A_492 = vector.broadcast %sub3A_491 : i32 to vector<16xi32>
        %sub3A_493 = arith.subi %convert_element_type3A_490, %sub3A_492 : vector<16xi32>
        %swap3A_494 = arith.constant 32 : index
        %swap3A_495 = tpu.vector_load %arg8[%swap3A_494] {strides = array<i32>} : memref<128xi32, #tpu.memory_space<vmem>>, vector<16xi32>,
        %swap3A_496 = vector.shape_cast %swap3A_495 : vector<16xi32> to vector<16xi32>
        %swap3A_497 = vector.shape_cast %sub3A_493 : vector<16xi32> to vector<16xi32>
        tpu.vector_store %arg8[%swap3A_494], %swap3A_497 {strides = array<i32>} : memref<128xi32, #tpu.memory_space<vmem>>, vector<16xi32>,
        %get3A_498 = arith.constant 48 : index
        %get3A_499 = tpu.vector_load %arg6[%get3A_498] {strides = array<i32>} : memref<128xf32, #tpu.memory_space<vmem>>, vector<16xf32>,
        %get3A_500 = vector.shape_cast %get3A_499 : vector<16xf32> to vector<16xf32>
        %max3A_501 = arith.constant 2.000000e-04 : f32
        %max3A_502 = vector.broadcast %max3A_501 : f32 to vector<16xf32>
        %max3A_503 = arith.maximumf %get3A_500, %max3A_502 : vector<16xf32>
        %mul3A_504 = arith.constant 5.000000e+03 : f32
        %mul3A_505 = vector.broadcast %mul3A_504 : f32 to vector<16xf32>
        %mul3A_506 = arith.mulf %max3A_503, %mul3A_505 : vector<16xf32>
        %add3A_507 = arith.constant 0x4B400000 : f32
        %add3A_508 = vector.broadcast %add3A_507 : f32 to vector<16xf32>
        %add3A_509 = arith.addf %mul3A_506, %add3A_508 : vector<16xf32>
        %sub3A_510 = arith.constant 0x4B400000 : f32
        %sub3A_511 = vector.broadcast %sub3A_510 : f32 to vector<16xf32>
        %sub3A_512 = arith.subf %add3A_509, %sub3A_511 : vector<16xf32>
        %convert_element_type3A_513 = arith.fptosi %sub3A_512 : vector<16xf32> to vector<16xi32>
        %sub3A_514 = arith.constant 1 : i32
        %sub3A_515 = vector.broadcast %sub3A_514 : i32 to vector<16xi32>
        %sub3A_516 = arith.subi %convert_element_type3A_513, %sub3A_515 : vector<16xi32>
        %swap3A_517 = arith.constant 48 : index
        %swap3A_518 = tpu.vector_load %arg8[%swap3A_517] {strides = array<i32>} : memref<128xi32, #tpu.memory_space<vmem>>, vector<16xi32>,
        %swap3A_519 = vector.shape_cast %swap3A_518 : vector<16xi32> to vector<16xi32>
        %swap3A_520 = vector.shape_cast %sub3A_516 : vector<16xi32> to vector<16xi32>
        tpu.vector_store %arg8[%swap3A_517], %swap3A_520 {strides = array<i32>} : memref<128xi32, #tpu.memory_space<vmem>>, vector<16xi32>,
        %get3A_521 = arith.constant 64 : index
        %get3A_522 = tpu.vector_load %arg6[%get3A_521] {strides = array<i32>} : memref<128xf32, #tpu.memory_space<vmem>>, vector<16xf32>,
        %get3A_523 = vector.shape_cast %get3A_522 : vector<16xf32> to vector<16xf32>
        %max3A_524 = arith.constant 2.000000e-04 : f32
        %max3A_525 = vector.broadcast %max3A_524 : f32 to vector<16xf32>
        %max3A_526 = arith.maximumf %get3A_523, %max3A_525 : vector<16xf32>
        %mul3A_527 = arith.constant 5.000000e+03 : f32
        %mul3A_528 = vector.broadcast %mul3A_527 : f32 to vector<16xf32>
        %mul3A_529 = arith.mulf %max3A_526, %mul3A_528 : vector<16xf32>
        %add3A_530 = arith.constant 0x4B400000 : f32
        %add3A_531 = vector.broadcast %add3A_530 : f32 to vector<16xf32>
        %add3A_532 = arith.addf %mul3A_529, %add3A_531 : vector<16xf32>
        %sub3A_533 = arith.constant 0x4B400000 : f32
        %sub3A_534 = vector.broadcast %sub3A_533 : f32 to vector<16xf32>
        %sub3A_535 = arith.subf %add3A_532, %sub3A_534 : vector<16xf32>
        %convert_element_type3A_536 = arith.fptosi %sub3A_535 : vector<16xf32> to vector<16xi32>
        %sub3A_537 = arith.constant 1 : i32
        %sub3A_538 = vector.broadcast %sub3A_537 : i32 to vector<16xi32>
        %sub3A_539 = arith.subi %convert_element_type3A_536, %sub3A_538 : vector<16xi32>
        %swap3A_540 = arith.constant 64 : index
        %swap3A_541 = tpu.vector_load %arg8[%swap3A_540] {strides = array<i32>} : memref<128xi32, #tpu.memory_space<vmem>>, vector<16xi32>,
        %swap3A_542 = vector.shape_cast %swap3A_541 : vector<16xi32> to vector<16xi32>
        %swap3A_543 = vector.shape_cast %sub3A_539 : vector<16xi32> to vector<16xi32>
        tpu.vector_store %arg8[%swap3A_540], %swap3A_543 {strides = array<i32>} : memref<128xi32, #tpu.memory_space<vmem>>, vector<16xi32>,
        %get3A_544 = arith.constant 80 : index
        %get3A_545 = tpu.vector_load %arg6[%get3A_544] {strides = array<i32>} : memref<128xf32, #tpu.memory_space<vmem>>, vector<16xf32>,
        %get3A_546 = vector.shape_cast %get3A_545 : vector<16xf32> to vector<16xf32>
        %max3A_547 = arith.constant 2.000000e-04 : f32
        %max3A_548 = vector.broadcast %max3A_547 : f32 to vector<16xf32>
        %max3A_549 = arith.maximumf %get3A_546, %max3A_548 : vector<16xf32>
        %mul3A_550 = arith.constant 5.000000e+03 : f32
        %mul3A_551 = vector.broadcast %mul3A_550 : f32 to vector<16xf32>
        %mul3A_552 = arith.mulf %max3A_549, %mul3A_551 : vector<16xf32>
        %add3A_553 = arith.constant 0x4B400000 : f32
        %add3A_554 = vector.broadcast %add3A_553 : f32 to vector<16xf32>
        %add3A_555 = arith.addf %mul3A_552, %add3A_554 : vector<16xf32>
        %sub3A_556 = arith.constant 0x4B400000 : f32
        %sub3A_557 = vector.broadcast %sub3A_556 : f32 to vector<16xf32>
        %sub3A_558 = arith.subf %add3A_555, %sub3A_557 : vector<16xf32>
        %convert_element_type3A_559 = arith.fptosi %sub3A_558 : vector<16xf32> to vector<16xi32>
        %sub3A_560 = arith.constant 1 : i32
        %sub3A_561 = vector.broadcast %sub3A_560 : i32 to vector<16xi32>
        %sub3A_562 = arith.subi %convert_element_type3A_559, %sub3A_561 : vector<16xi32>
        %swap3A_563 = arith.constant 80 : index
        %swap3A_564 = tpu.vector_load %arg8[%swap3A_563] {strides = array<i32>} : memref<128xi32, #tpu.memory_space<vmem>>, vector<16xi32>,
        %swap3A_565 = vector.shape_cast %swap3A_564 : vector<16xi32> to vector<16xi32>
        %swap3A_566 = vector.shape_cast %sub3A_562 : vector<16xi32> to vector<16xi32>
        tpu.vector_store %arg8[%swap3A_563], %swap3A_566 {strides = array<i32>} : memref<128xi32, #tpu.memory_space<vmem>>, vector<16xi32>,
        %get3A_567 = arith.constant 96 : index
        %get3A_568 = tpu.vector_load %arg6[%get3A_567] {strides = array<i32>} : memref<128xf32, #tpu.memory_space<vmem>>, vector<16xf32>,
        %get3A_569 = vector.shape_cast %get3A_568 : vector<16xf32> to vector<16xf32>
        %max3A_570 = arith.constant 2.000000e-04 : f32
        %max3A_571 = vector.broadcast %max3A_570 : f32 to vector<16xf32>
        %max3A_572 = arith.maximumf %get3A_569, %max3A_571 : vector<16xf32>
        %mul3A_573 = arith.constant 5.000000e+03 : f32
        %mul3A_574 = vector.broadcast %mul3A_573 : f32 to vector<16xf32>
        %mul3A_575 = arith.mulf %max3A_572, %mul3A_574 : vector<16xf32>
        %add3A_576 = arith.constant 0x4B400000 : f32
        %add3A_577 = vector.broadcast %add3A_576 : f32 to vector<16xf32>
        %add3A_578 = arith.addf %mul3A_575, %add3A_577 : vector<16xf32>
        %sub3A_579 = arith.constant 0x4B400000 : f32
        %sub3A_580 = vector.broadcast %sub3A_579 : f32 to vector<16xf32>
        %sub3A_581 = arith.subf %add3A_578, %sub3A_580 : vector<16xf32>
        %convert_element_type3A_582 = arith.fptosi %sub3A_581 : vector<16xf32> to vector<16xi32>
        %sub3A_583 = arith.constant 1 : i32
        %sub3A_584 = vector.broadcast %sub3A_583 : i32 to vector<16xi32>
        %sub3A_585 = arith.subi %convert_element_type3A_582, %sub3A_584 : vector<16xi32>
        %swap3A_586 = arith.constant 96 : index
        %swap3A_587 = tpu.vector_load %arg8[%swap3A_586] {strides = array<i32>} : memref<128xi32, #tpu.memory_space<vmem>>, vector<16xi32>,
        %swap3A_588 = vector.shape_cast %swap3A_587 : vector<16xi32> to vector<16xi32>
        %swap3A_589 = vector.shape_cast %sub3A_585 : vector<16xi32> to vector<16xi32>
        tpu.vector_store %arg8[%swap3A_586], %swap3A_589 {strides = array<i32>} : memref<128xi32, #tpu.memory_space<vmem>>, vector<16xi32>,
        %get3A_590 = arith.constant 112 : index
        %get3A_591 = tpu.vector_load %arg6[%get3A_590] {strides = array<i32>} : memref<128xf32, #tpu.memory_space<vmem>>, vector<16xf32>,
        %get3A_592 = vector.shape_cast %get3A_591 : vector<16xf32> to vector<16xf32>
        %max3A_593 = arith.constant 2.000000e-04 : f32
        %max3A_594 = vector.broadcast %max3A_593 : f32 to vector<16xf32>
        %max3A_595 = arith.maximumf %get3A_592, %max3A_594 : vector<16xf32>
        %mul3A_596 = arith.constant 5.000000e+03 : f32
        %mul3A_597 = vector.broadcast %mul3A_596 : f32 to vector<16xf32>
        %mul3A_598 = arith.mulf %max3A_595, %mul3A_597 : vector<16xf32>
        %add3A_599 = arith.constant 0x4B400000 : f32
        %add3A_600 = vector.broadcast %add3A_599 : f32 to vector<16xf32>
        %add3A_601 = arith.addf %mul3A_598, %add3A_600 : vector<16xf32>
        %sub3A_602 = arith.constant 0x4B400000 : f32
        %sub3A_603 = vector.broadcast %sub3A_602 : f32 to vector<16xf32>
        %sub3A_604 = arith.subf %add3A_601, %sub3A_603 : vector<16xf32>
        %convert_element_type3A_605 = arith.fptosi %sub3A_604 : vector<16xf32> to vector<16xi32>
        %sub3A_606 = arith.constant 1 : i32
        %sub3A_607 = vector.broadcast %sub3A_606 : i32 to vector<16xi32>
        %sub3A_608 = arith.subi %convert_element_type3A_605, %sub3A_607 : vector<16xi32>
        %swap3A_609 = arith.constant 112 : index
        %swap3A_610 = tpu.vector_load %arg8[%swap3A_609] {strides = array<i32>} : memref<128xi32, #tpu.memory_space<vmem>>, vector<16xi32>,
        %swap3A_611 = vector.shape_cast %swap3A_610 : vector<16xi32> to vector<16xi32>
        %swap3A_612 = vector.shape_cast %sub3A_608 : vector<16xi32> to vector<16xi32>
        tpu.vector_store %arg8[%swap3A_609], %swap3A_612 {strides = array<i32>} : memref<128xi32, #tpu.memory_space<vmem>>, vector<16xi32>,
        %dma_start3A_613 = arith.constant 0 : i32
        %dma_start3A_614 = arith.constant 0 : i32
        %dma_start3A_615 = tpu.memref_slice %arg3[%dma_start3A_613, %dma_start3A_614] : memref<5000x256xf32, #tpu.memory_space<hbm>> -> memref<5000x256xf32, #tpu.memory_space<hbm>>
        tpu.enqueue_indirect_dma source(%dma_start3A_615 : memref<5000x256xf32, #tpu.memory_space<hbm>>) target(%arg10 : memref<128x256xf32, #tpu.memory_space<vmem>>) offsets(%arg8 : memref<128xi32, #tpu.memory_space<vmem>>) semaphore(%arg12 : memref<!tpu.dma_semaphore, #tpu.memory_space<semaphore_mem>>)
      } else {
      }
    }
    %scan3A_379 = arith.constant 50 : i32
    return
  }
}

</mosaic_0001>

<sc_bundles>
// kernel: kernel.3.cloned.1.call-start
scs
__scs_entry_jumppad:
0x0: {  	(pc) =	sbr.rel $0x88, $3  }
0x1: {  	(tag) =	ssettag $0x0;
	lr =	simm.s32 $0x1  }
0x2: {  	[smem:$0x3F9F] =	sst lr;
	_ =	strace $0xD0000000  }
0x3: {  	_ = 	snop  }
0x4: {  	_ = 	snop  }
0x5: {  	_ = 	snop  }
0x6: {  	_ = 	snop  }
0x7: {  	_ = 	snop  }
__scs_overlays_trampoline_lowered:
0x8: {  	[smem:$0x3FAE] =	sst s0  }
0x9: {  	[smem:$0x3FAF] =	sst s1  }
0xa: {  	[smem:$0x3FB0] =	sst s2  }
0xb: {  	[smem:$0x3FB1] =	sst s3  }
0xc: {  	[smem:$0x3FB2] =	sst s4  }
0xd: {  	[smem:$0x3FB3] =	sst s5  }
0xe: {  	[smem:$0x3FB4] =	sst s6  }
0xf: {  	[smem:$0x3FB5] =	sst s7  }
0x10: {  	[smem:$0x3FB6] =	sst s8  }
0x11: {  	[smem:$0x3FB7] =	sst s9;
	s0 =	simm.s32 @!p0 $0x0  }
0x12: {  	s1 =	sld [smem:$0x3F9D];
	s0 =	simm.s32 @p0 $0x1  }
0x13: {  	[smem:$0x3FB8] =	sst s0;
	s0 =	simm.s32 @!p1 $0x0  }
0x14: {  	s2 =	sld [smem:$0x3F9C];
	s0 =	simm.s32 @p1 $0x1  }
0x15: {  	[smem:$0x3FB9] =	sst s0;
	s0 =	simm.s32 @!p2 $0x0  }
0x16: {  	s3 =	sld [smem:$0x3FDB];
	s0 =	simm.s32 @p2 $0x1  }
0x17: {  	s4 =	simm.s32 $0x1BF5;
	[smem:$0x3FBB] =	sst s0  }
0x18: {  	s0 =	sld [smem:$0x3F9E];
	_ =	swait.ge [sflag:s4], $0x0  }
0x19: {  	s7 =	sld [smem:$0x3F9F]  }
0x1a: {  	s8 =	sadd.s32 $0xFFFFE003, lr  }
0x1b: {  	s9 =	sadd.s32 $0xFFFFFEF7, lr;
	s5 =	simm.s32 $0xFFFFFFFF;
	p2 =	slt.u32 s8, $0xFFFFF086  }
0x1c: {  	p1 =	slt.u32 s9, $0xF7A;
	s5 =	simm.s32 @!p2 $0x0  }
0x1d: {  	s5 =	simm.s32 @p1 $0x1;
	p0 =	seq.s32 s7, s2  }
0x1e: {  	s7 =	smul.u32 @!p0 $0xF7A, s2;
	p2 =	seq.s32 @!p0 s5, $0x0  }
0x1f: {  	s9 =	smul.u32 $0xF7A, s1;
	s8 =	simm.s32 @!p0 $0x1BF5;
	p2 =	por !p2, p0  }
0x20: {  	[sflag:s8] =	ssyncset.s32 @!p0 $0xFFFFF086;
	s6 =	sadd.s32 @!p0 s3, s7;
	s7 =	simm.s32 @!p0 $0x108  }
0x21: {  	s3 =	sadd.s32 s3, s9;
	s6 =	sadd.s32 @!p0 $0x88, s6;
	s7 =	simm.s32 @p2 $0x1082  }
0x22: {  	[simem:s7], [sflag:s8] =	dma.local @!p0 [hbm:s6], $0xF7A  }
0x23: {  	s9 =	sor.u32 $0xD0000000, s2;
	s6 =	simm.s32 $0x108;
	_ =	swait.ge @!p0 [sflag:s8], $0x0  }
0x24: {  	s3 =	sadd.s32 $0x88, s3;
	s6 =	simm.s32 @!p1 $0x1082;
	[sflag:s4] =	ssyncset.s32 $0xFFFFF086  }
0x25: {  	[simem:s6], [sflag:s4] =	dma.local [hbm:s3], $0xF7A  }
0x26: {  	[smem:$0x3F9F] =	sst s1;
	(tag) =	ssettag s2;
	_ =	strace s9  }
0x27: {  	s1 =	sld [smem:$0x3FAF]  }
0x28: {  	s2 =	sld [smem:$0x3FB0]  }
0x29: {  	s4 =	sld [smem:$0x3FB2]  }
0x2a: {  	p0 =	seq.s32 s5, $0x0;
	s5 =	sld [smem:$0x3FB3]  }
0x2b: {  	s6 =	sld [smem:$0x3FB4]  }
0x2c: {  	s7 =	sld [smem:$0x3FB5]  }
0x2d: {  	s3 =	simm.s32 $0x108;
	s8 =	sld [smem:$0x3FB6]  }
0x2e: {  	s3 =	simm.s32 @!p0 $0x1082;
	s9 =	sld [smem:$0x3FB7]  }
0x2f: {  	lr =	sadd.s32 s0, s3;
	s0 =	sld [smem:$0x3FAE]  }
0x30: {  	s3 =	sld [smem:$0x3FB1]  }
0x31: {  	[smem:$0x3FBA] =	sst s10  }
0x32: {  	s10 =	sld [smem:$0x3FB8];
	_ =	sdelay $0x3  }
0x33: {  	p0 =	seq.s32 s10, $0x1;
	s10 =	sld [smem:$0x3FBA];
	_ =	sdelay $0x3  }
0x34: {  	[smem:$0x3FBA] =	sst s10  }
0x35: {  	s10 =	sld [smem:$0x3FB9];
	_ =	sdelay $0x3  }
0x36: {  	p1 =	seq.s32 s10, $0x1;
	s10 =	sld [smem:$0x3FBA];
	_ =	sdelay $0x3  }
0x37: {  	[smem:$0x3FBA] =	sst s10  }
0x38: {  	s10 =	sld [smem:$0x3FBB]  }
0x39: {  	_ = 	snop;
	(pc) =	sbr.ind lr, $3  }
0x3a: {  	_ = 	snop  }
0x3b: {  	_ = 	snop  }
0x3c: {  	p2 =	seq.s32 s10, $0x1;
	s10 =	sld [smem:$0x3FBA]  }
0x3d: {  	_ =	shalt  }
0x3e: {  	_ =	shalt  }
0x3f: {  	_ =	shalt  }
0x40: {  	_ =	shalt  }
0x41: {  	_ =	shalt  }
0x42: {  	_ =	shalt  }
0x43: {  	_ =	shalt  }
0x44: {  	_ =	shalt  }
0x45: {  	_ =	shalt  }
0x46: {  	_ =	shalt  }
0x47: {  	_ =	shalt  }
0x48: {  	_ =	shalt  }
0x49: {  	_ =	shalt  }
0x4a: {  	_ =	shalt  }
0x4b: {  	_ =	shalt  }
0x4c: {  	_ =	shalt  }
0x4d: {  	_ =	shalt  }
0x4e: {  	_ =	shalt  }
0x4f: {  	_ =	shalt  }
0x50: {  	_ =	shalt  }
0x51: {  	_ =	shalt  }
0x52: {  	_ =	shalt  }
0x53: {  	_ =	shalt  }
0x54: {  	_ =	shalt  }
0x55: {  	_ =	shalt  }
0x56: {  	_ =	shalt  }
0x57: {  	_ =	shalt  }
0x58: {  	_ =	shalt  }
0x59: {  	_ =	shalt  }
0x5a: {  	_ =	shalt  }
0x5b: {  	_ =	shalt  }
0x5c: {  	_ =	shalt  }
0x5d: {  	_ =	shalt  }
0x5e: {  	_ =	shalt  }
0x5f: {  	_ =	shalt  }
0x60: {  	_ =	shalt  }
0x61: {  	_ =	shalt  }
0x62: {  	_ =	shalt  }
0x63: {  	_ =	shalt  }
0x64: {  	_ =	shalt  }
0x65: {  	_ =	shalt  }
0x66: {  	_ =	shalt  }
0x67: {  	_ =	shalt  }
0x68: {  	_ =	shalt  }
0x69: {  	_ =	shalt  }
0x6a: {  	_ =	shalt  }
0x6b: {  	_ =	shalt  }
0x6c: {  	_ =	shalt  }
0x6d: {  	_ =	shalt  }
0x6e: {  	_ =	shalt  }
0x6f: {  	_ =	shalt  }
0x70: {  	_ =	shalt  }
0x71: {  	_ =	shalt  }
0x72: {  	_ =	shalt  }
0x73: {  	_ =	shalt  }
0x74: {  	_ =	shalt  }
0x75: {  	_ =	shalt  }
0x76: {  	_ =	shalt  }
0x77: {  	_ =	shalt  }
0x78: {  	_ =	shalt  }
0x79: {  	_ =	shalt  }
0x7a: {  	_ =	shalt  }
0x7b: {  	_ =	shalt  }
0x7c: {  	_ =	shalt  }
0x7d: {  	_ =	shalt  }
0x7e: {  	_ =	shalt  }
0x7f: {  	_ =	shalt  }
0x80: {  	_ =	shalt  }
0x81: {  	_ =	shalt  }
0x82: {  	_ =	shalt  }
0x83: {  	_ =	shalt  }
0x84: {  	_ =	shalt  }
0x85: {  	_ =	shalt  }
0x86: {  	_ =	shalt  }
0x87: {  	_ =	shalt  }
.Lfunc_end0:
.L_simem_size_0:
called_computation.1_lowered:
.L_overlay_start_0:
0x88: {  	s2 =	sld [smem:$0x3FD9]  }
0x89: {  	s3 =	sld [smem:$0x3FFE];
	_ =	sdelay $0x1  }
0x8a: {  	s1 =	srdreg.scid  }
0x8b: {  	s0 =	sand.u32 $0x1, s1  }
0x8c: {  	s17 =	sshll.u32 s0, $0xA;
	s2 =	sadd.s32 s3, s2  }
0x8d: {  	s2 =	sadd.s32 s2, s17  }
0x8e: {  	[smem:$0x3FC6] =	sst s2  }
0x8f: {  	_ = 	snop  }
0x90: {  	s2 =	sld [smem:$0x3FC8]  }
0x91: {  	s18 =	sld [smem:$0x3FD0];
	(tm) =	ssettm $0x1  }
0x92: {  	s4 =	sld [smem:$0x3FFB];
	_ =	sdelay $0x3  }
0x93: {  	_ =	strace s4  }
0x94: {  	s4 =	sld [smem:$0x3FFC];
	_ =	sdelay $0x3  }
0x95: {  	_ =	strace s4  }
0x96: {  	s4 =	sld [smem:$0x3FFD];
	_ =	sdelay $0x3  }
0x97: {  	_ =	strace s4  }
0x98: {  	_ =	strace $0x8FFFFFFF  }
0x99: {  	s19 =	sld [smem:$0x3FDB];
	_ =	sdelay $0x1  }
0x9a: {  	s5 =	simm.s32 $_scs_section_size  }
0x9b: {  	s6 =	simm.s32 $_size__tile_overlayer_lowered;
	s7 =	simm.s32 $_tile_overlayer_lowered  }
0x9c: {  	s22 =	simm.s32 $0x1BFF;
	s21 =	sshll.u32 s7, $0x1;
	s4 =	sadd.s32 s5, s19  }
0x9d: {  	s8 =	simm.s32 $0x0;
	s20 =	sshll.u32 s6, $0x1;
	s6 =	sadd.s32 s21, s4  }
0x9e: {  	[timem:s8], [sflag:s22] =	dma.local [hbm:s6], s20  }
0x9f: {  	_ =	swait.ge [sflag:s22], s20  }
0xa0: {  	s5 =	ssub.s32 $0x0, s20;
	[sflag:s22] =	ssyncset.done $0x0  }
0xa1: {  	[sflag:s22] =	ssyncadd.s32 s5;
	_ =	sdelay $0x1  }
0xa2: {  	s23 =	simm.s32 $0x1B8B  }
0xa3: {  	_ =	swait.ge [sflag:s23], $0x1  }
0xa4: {  	[sflag:s23] =	ssyncset.done $0x0  }
0xa5: {  	s25 =	simm.s32 $0x1B8E;
	s24 =	sld [smem:$0x3FFE];
	[sflag:s23] =	ssyncadd.s32 $0xFFFFFFFF  }
0xa6: {  	s26 =	simm.s32 $execute0_lowered;
	[smem:$0x3FD2] =	sst s25  }
0xa7: {  	s6 =	sshll.u32 s26, $0x1;
	_ =	strace $0x80000046;
	[dreg:$0x1] =	wrdreg $0xFFFFFFFF  }
0xa8: {  	s28 =	simm.s32 $_size_execute0_lowered;
	s4 =	sadd.s32 s4, s6;
	[dreg:$0x0] =	wrdreg $0x0  }
0xa9: {  	s6 =	sshll.u32 s28, $0x1;
	[dreg:$0x2] =	wrdreg s4  }
0xaa: {  	[dreg:$0x3] =	wrdreg s6  }
0xab: {  	[dreg:$0x4] =	wrdreg $0xC0  }
0xac: {  	_ =	task [dreg:s8], $0x5FFFF  }
0xad: {  	[dreg:$0x1] =	wrdreg $0xFFFFFFFF  }
0xae: {  	[dreg:$0x0] =	wrdreg $0x60  }
0xaf: {  	[dreg:$0x2] =	wrdreg s24  }
0xb0: {  	[dreg:$0x3] =	wrdreg s2  }
0xb1: {  	[dreg:$0x4] =	wrdreg s18  }
0xb2: {  	[dreg:$0x5] =	wrdreg $0x9  }
0xb3: {  	_ =	task.clear_ibuf [dreg:s8], $0x6FFFF;
	_ =	strace $0x90000046  }
0xb4: {  	s29 =	simm.s32 $0x9;
	_ =	strace $0x80000048  }
0xb5: {  	_ =	swait.ge [sflag:s29], $0x1  }
0xb6: {  	[sflag:s29] =	ssyncadd.s32 $0xFFFFFFFF  }
0xb7: {  	_ =	strace $0x90000048  }
0xb8: {  	_ =	sfence  }
0xb9: {  	s30 =	sld [smem:$0x0];
	_ =	sdelay $0x2  }
0xba: {  	s31 =	sshll.u32 s1, $0xD;
	s1 =	sshrl.u32 s1, $0x2  }
0xbb: {  	s3 =	sand.u32 $0x4000, s31;
	s1 =	sadd.s32 s1, s30  }
0xbc: {  	s0 =	sor.u32 s3, s0;
	s1 =	sshll.u32 s1, $0x11  }
0xbd: {  	s0 =	sor.u32 s1, s0  }
0xbe: {  	s0 =	sadd.s32 $0x8F2B, s0  }
0xbf: {  	[sflag:s0] =	ssyncadd.remote.s32 $0x1  }
0xc0: {  	_ =	sfence.sel $0xFFFF  }
0xc1: {  	[dreg:$0x0] =	wrdreg $0xFFFFFFFF;
	(pc) =	sbr.abs _section_cstart, $3  }
0xc2: {  	[dreg:$0x1] =	wrdreg $0xFFFFFFFF  }
0xc3: {  	_ =	task.clear_ibuf [dreg:s8], $0x2FFFF;
	_ =	strace $0x9FFFFFFF  }
0xc4: {  	(tm) =	ssettm $0x7FFFFFFF  }
0xc5: {  	_ =	shalt  }
tec
execute0_lowered:
.L_overlay_start_1:
0x0: {  	(tag) =	ssettag $0x1  }
0x1: {  	s0 =	rddreg [dreg:$0x0]  }
0x2: {  	s2 =	rddreg [dreg:$0x1]  }
0x3: {  	s1 =	rddreg [dreg:$0x2]  }
0x4: {  	s4 =	srdreg.scid;
	s10 =	stileid.u32;
	s3 =	simm.s32 $0x0  }
0x5: {  	s11 =	simm.s32 $0x5;
	s12 =	simm.s32 $0x200;
	s29 =	simm.s32 $0x80  }
0x6: {  	s30 =	simm.s32 $0x8200;
	s31 =	simm.s32 $0x8A00;
	s13 =	simm.s32 $0xCA00  }
0x7: {  	s14 =	simm.s32 $0xD200;
	s15 =	simm.s32 $0xDA00;
	s16 =	simm.s32 $0xE200  }
0x8: {  	s17 =	simm.s32 $0xEA00;
	s18 =	simm.s32 $0xF200;
	s7 =	smul.u32 $0x640000, s10  }
0x9: {  	s19 =	simm.s32 $0xFA00;
	s20 =	simm.s32 $0x1;
	s22 =	smul.u32 $0x6400, s10  }
0xa: {  	s4 =	sand.u32 $0x1, s4;
	s5 =	sshll.u32 s10, $0x1;
	s25 =	smul.u32 $0xC8000, s10  }
0xb: {  	[smem:$0x7FF] =	sst s3;
	s0 =	sadd.s32 $0x800, s0;
	s9 =	smul.u32 $0x320000, s4  }
0xc: {  	s5 =	sor.u32 s4, s5;
	s6 =	ssub.s32 $0x2, s4;
	s23 =	smul.u32 $0x3200, s4  }
0xd: {  	s10 =	simm.s32 $0xC200;
	s5 =	smul.u32 $0x3200, s5;
	s8 =	sshrl.u32 s6, $0x1  }
0xe: {  	_ =	strace $0x80000047;
	s4 =	smul.u32 $0x64000, s4;
	s6 =	ssub.s32 s6, s8  }
0xf: {  	s7 =	sadd.s32 s9, s7;
	s5 =	sshrl.u32 s5, $0x3;
	s6 =	smax.u32 s6, $0x1  }
0x10: {  	s24 =	sshrl.u32 s7, $0x3;
	s7 =	simm.s32 $0xB200;
	s21 =	sadd.s32 s0, s5  }
0x11: {  	[dreg:$0x6] =	wrdreg s6;
	s6 =	sadd.s32 s24, s1;
	s5 =	sadd.s32 s23, s22  }
0x12: {  	s1 =	sadd.s32 s25, s1;
	s22 =	simm.s32 $0x3;
	s23 =	simm.s32 $0x4  }
0x13: {  	s25 =	simm.s32 $0x0;
	[dreg:$0x4] =	wrdreg s21;
	s8 =	sadd.s32 $0x10, s21  }
0x14: {  	[dreg:$0x7] =	wrdreg s6;
	s26 =	sor.u32 $0x180, s5;
	s5 =	sor.u32 $0x100, s5  }
.Ltmp0:
0x15: {  	s1 =	sadd.s32 s4, s1;
	s4 =	simm.s32 $0xBA00;
	(pc) =	sbr.rel .LBB2_1-.Ltmp0, $4  }
0x16: {  	s21 =	simm.s32 $0x2;
	[dreg:$0x5] =	wrdreg s8;
	s6 =	sshrl.u32 s26, $0x3  }
0x17: {  	v2 =	vlaneseq.u32;
	s5 =	sshrl.u32 s5, $0x3;
	s28 =	sadd.s32 $0x1000, s1;
	s1 =	simm.s32 $0x9A00  }
0x18: {  	vm0 =	vmmov $0xffff;
	v1 =	vshrl.u32 v2, $0x3;
	s8 =	sadd.s32 s6, s0;
	s9 =	sadd.s32 s5, s0;
	[dreg:$0x8] =	wrdreg s28  }
0x19: {  	v0 =	vand.u32 $0x7, v2;
	v2 =	vor.u32 $0x8, v2;
	v1 =	vmul.u32 $0x8, v1;
	s0 =	simm.s32 $0x9200;
	s5 =	simm.s32 $0xA200;
	s6 =	simm.s32 $0xAA00  }
.LBB2_4:
0x1a: {  	_ =	swait.ge [sflag:s23], $0x8000  }
0x1b: {  	s25 =	rddreg [dreg:$0x9]  }
0x1c: {  	s24 =	rddreg [dreg:$0x6];
	s25 =	sadd.s32 $0x1, s25  }
0x1d: {  	p0 =	sne.s32 s25, s24  }
.Ltmp1:
0x1e: {  	_ = 	snop;
	(pc) =	sbr.rel @!p0 .LBB2_5-.Ltmp1, $3  }
0x1f: {  	_ =	sdelay $0x1  }
0x20: {  	[sflag:s23] =	ssyncset.done $0x0  }
0x21: {  	[sflag:s23] =	ssyncadd.s32 $0xFFFF8000  }
.LBB2_1:
0x22: {  	[dreg:$0x9] =	wrdreg s25  }
0x23: {  	s24 =	rddreg [dreg:$0x4]  }
0x24: {  	[tilespmem:s3], [sflag:$0x5] =	stream.linear.gather [hbm4b:s24+s3], $0x80, $0x38;
	[tilespmem:$0x10200] =	vst v63  }
0x25: {  	_ =	swait.ge [sflag:s11], $0x80  }
0x26: {  	[sflag:s11] =	ssyncset.done $0x0  }
0x27: {  	[sflag:s11] =	ssyncadd.s32 $0xFFFFFF80  }
0x28: {  	v3 =	vld [tilespmem:$0x0]  }
0x29: {  	v4 =	vld [tilespmem:$0x10]  }
0x2a: {  	v5 =	vld [tilespmem:$0x20]  }
0x2b: {  	v6 =	vld [tilespmem:$0x30]  }
0x2c: {  	v7 =	vld [tilespmem:$0x40]  }
0x2d: {  	v8 =	vld [tilespmem:$0x50]  }
0x2e: {  	v9 =	vld [tilespmem:$0x60]  }
0x2f: {  	v10 =	vld [tilespmem:$0x70];
	_ =	sdelay $0x1  }
0x30: {  	v3 =	vmax.f32 v3, $1.999999950e-04;
	v4 =	vmax.f32 v4, $1.999999950e-04;
	v5 =	vmax.f32 v5, $1.999999950e-04  }
0x31: {  	v6 =	vmax.f32 v6, $1.999999950e-04;
	v7 =	vmax.f32 v7, $1.999999950e-04;
	v8 =	vmax.f32 v8, $1.999999950e-04  }
0x32: {  	v9 =	vmax.f32 v9, $1.999999950e-04;
	v3 =	vmul.f32 $5.000000000e+03, v3;
	v4 =	vmul.f32 $5.000000000e+03, v4  }
0x33: {  	v10 =	vmax.f32 v10, $1.999999950e-04;
	v5 =	vmul.f32 $5.000000000e+03, v5;
	v6 =	vmul.f32 $5.000000000e+03, v6  }
0x34: {  	v7 =	vmul.f32 $5.000000000e+03, v7;
	v8 =	vmul.f32 $5.000000000e+03, v8;
	v3 =	vadd.f32 $1.258291200e+07, v3  }
0x35: {  	v9 =	vmul.f32 $5.000000000e+03, v9;
	v4 =	vadd.f32 $1.258291200e+07, v4;
	v5 =	vadd.f32 $1.258291200e+07, v5  }
0x36: {  	v10 =	vmul.f32 $5.000000000e+03, v10;
	v6 =	vadd.f32 $1.258291200e+07, v6;
	v7 =	vadd.f32 $1.258291200e+07, v7  }
0x37: {  	v8 =	vadd.f32 $1.258291200e+07, v8;
	v9 =	vadd.f32 $1.258291200e+07, v9  }
0x38: {  	v10 =	vadd.f32 $1.258291200e+07, v10;
	v3 =	vadd.f32 $-1.258291200e+07, v3  }
0x39: {  	v4 =	vadd.f32 $-1.258291200e+07, v4;
	v5 =	vadd.f32 $-1.258291200e+07, v5  }
0x3a: {  	v6 =	vadd.f32 $-1.258291200e+07, v6;
	v7 =	vadd.f32 $-1.258291200e+07, v7  }
0x3b: {  	v8 =	vadd.f32 $-1.258291200e+07, v8;
	v3 =	vtrunc.f32 v3;
	v4 =	vtrunc.f32 v4  }
0x3c: {  	v9 =	vadd.f32 $-1.258291200e+07, v9;
	v5 =	vtrunc.f32 v5;
	v3 =	vcvt.f32.s32 v3  }
0x3d: {  	v23 =	vadd.f32 $-1.258291200e+07, v10;
	v6 =	vtrunc.f32 v6;
	v7 =	vtrunc.f32 v7  }
0x3e: {  	v20 =	vtrunc.f32 v8;
	v22 =	vtrunc.f32 v9;
	v3 =	vadd.s32 $0xFFFFFFFF, v3  }
0x3f: {  	v26 =	vtrunc.f32 v23;
	v4 =	vcvt.f32.s32 v4;
	v11 =	vshll.u32 v3, $0x1  }
0x40: {  	v5 =	vcvt.f32.s32 v5;
	v12 =	vand.u32 $0x7, v3;
	v11 =	vand.u32 $0xFFFFFFF0, v11  }
0x41: {  	v6 =	vcvt.f32.s32 v6;
	v4 =	vadd.s32 $0xFFFFFFFF, v4;
	[tilespmem:$0x100] =	vst v3;
	v21 =	vor.u32 v12, v11  }
0x42: {  	v5 =	vadd.s32 $0xFFFFFFFF, v5;
	v3 =	vcvt.f32.s32 v7;
	[tilespmem:$0x110] =	vst v4;
	v24 =	vperm.xlane v21, v0  }
0x43: {  	v25 =	vcvt.f32.s32 v20;
	v6 =	vadd.s32 $0xFFFFFFFF, v6;
	[tilespmem:$0x120] =	vst v5;
	v4 =	vcvt.f32.s32 v22  }
0x44: {  	[tilespmem:$0x130] =	vst v6;
	v3 =	vadd.s32 $0xFFFFFFFF, v3;
	v8 =	vperm.xlane v21, v2;
	v27 =	vadd.s32 v1, v24  }
0x45: {  	v28 =	vcvt.f32.s32 v26;
	[tilespmem:$0x140] =	vst v3;
	v3 =	vadd.s32 $0xFFFFFFFF, v25  }
0x46: {  	[tilespmem:$0x150] =	vst v3;
	v3 =	vadd.s32 $0xFFFFFFFF, v4;
	v29 =	vadd.s32 v1, v8  }
0x47: {  	[tilespmem:$0x160] =	vst v3;
	v3 =	vadd.s32 $0xFFFFFFFF, v28  }
0x48: {  	[tilespmem:$0x170] =	vst v3  }
0x49: {  	[tilespmem:s12], [sflag:$0x1] =	stream.indirect_vreg.gather [hbm4b:s2+s3], $0x80, v27, vm0, $0xb8;
	[tilespmem:$0x10200] =	vst v63  }
0x4a: {  	s28 =	simm.s32 $0xA00  }
0x4b: {  	[tilespmem:s28], [sflag:$0x1] =	stream.indirect_vreg.gather [hbm4b:s2+s3], $0x80, v29, vm0, $0xb8;
	[tilespmem:$0x10200] =	vst v63  }
0x4c: {  	v3 =	vld [tilespmem:$0x110];
	_ =	sdelay $0x4  }
0x4d: {  	v30 =	vshll.u32 v3, $0x1  }
0x4e: {  	v3 =	vand.u32 $0x7, v3;
	v4 =	vand.u32 $0xFFFFFFF0, v30  }
0x4f: {  	v3 =	vor.u32 v3, v4  }
0x50: {  	v4 =	vperm.xlane v3, v0;
	_ =	sdelay $0x1  }
0x51: {  	v3 =	vperm.xlane v3, v2;
	v4 =	vadd.s32 v1, v4;
	_ =	sdelay $0x1  }
0x52: {  	v3 =	vadd.s32 v1, v3;
	_ =	sdelay $0x1  }
0x53: {  	s25 =	simm.s32 $0x1200  }
0x54: {  	[tilespmem:s25], [sflag:$0x1] =	stream.indirect_vreg.gather [hbm4b:s2+s3], $0x80, v4, vm0, $0xb8;
	[tilespmem:$0x10200] =	vst v63  }
0x55: {  	s26 =	simm.s32 $0x1A00  }
0x56: {  	[tilespmem:s26], [sflag:$0x1] =	stream.indirect_vreg.gather [hbm4b:s2+s3], $0x80, v3, vm0, $0xb8;
	[tilespmem:$0x10200] =	vst v63  }
0x57: {  	v3 =	vld [tilespmem:$0x120];
	_ =	sdelay $0x4  }
0x58: {  	v31 =	vshll.u32 v3, $0x1  }
0x59: {  	v3 =	vand.u32 $0x7, v3;
	v4 =	vand.u32 $0xFFFFFFF0, v31  }
0x5a: {  	v3 =	vor.u32 v3, v4  }
0x5b: {  	v4 =	vperm.xlane v3, v0;
	_ =	sdelay $0x1  }
0x5c: {  	v3 =	vperm.xlane v3, v2;
	v4 =	vadd.s32 v1, v4;
	_ =	sdelay $0x1  }
0x5d: {  	v3 =	vadd.s32 v1, v3;
	_ =	sdelay $0x1  }
0x5e: {  	s28 =	simm.s32 $0x2200  }
0x5f: {  	[tilespmem:s28], [sflag:$0x1] =	stream.indirect_vreg.gather [hbm4b:s2+s3], $0x80, v4, vm0, $0xb8;
	[tilespmem:$0x10200] =	vst v63  }
0x60: {  	s25 =	simm.s32 $0x2A00  }
0x61: {  	[tilespmem:s25], [sflag:$0x1] =	stream.indirect_vreg.gather [hbm4b:s2+s3], $0x80, v3, vm0, $0xb8;
	[tilespmem:$0x10200] =	vst v63  }
0x62: {  	v3 =	vld [tilespmem:$0x130];
	_ =	sdelay $0x4  }
0x63: {  	v32 =	vshll.u32 v3, $0x1  }
0x64: {  	v3 =	vand.u32 $0x7, v3;
	v4 =	vand.u32 $0xFFFFFFF0, v32  }
0x65: {  	v3 =	vor.u32 v3, v4  }
0x66: {  	v4 =	vperm.xlane v3, v0;
	_ =	sdelay $0x1  }
0x67: {  	v3 =	vperm.xlane v3, v2;
	v4 =	vadd.s32 v1, v4;
	_ =	sdelay $0x1  }
0x68: {  	v3 =	vadd.s32 v1, v3;
	_ =	sdelay $0x1  }
0x69: {  	s26 =	simm.s32 $0x3200  }
0x6a: {  	[tilespmem:s26], [sflag:$0x1] =	stream.indirect_vreg.gather [hbm4b:s2+s3], $0x80, v4, vm0, $0xb8;
	[tilespmem:$0x10200] =	vst v63  }
0x6b: {  	s28 =	simm.s32 $0x3A00  }
0x6c: {  	[tilespmem:s28], [sflag:$0x1] =	stream.indirect_vreg.gather [hbm4b:s2+s3], $0x80, v3, vm0, $0xb8;
	[tilespmem:$0x10200] =	vst v63  }
0x6d: {  	v3 =	vld [tilespmem:$0x140];
	_ =	sdelay $0x4  }
0x6e: {  	v33 =	vshll.u32 v3, $0x1  }
0x6f: {  	v3 =	vand.u32 $0x7, v3;
	v4 =	vand.u32 $0xFFFFFFF0, v33  }
0x70: {  	v3 =	vor.u32 v3, v4  }
0x71: {  	v4 =	vperm.xlane v3, v0;
	_ =	sdelay $0x1  }
0x72: {  	v3 =	vperm.xlane v3, v2;
	v4 =	vadd.s32 v1, v4;
	_ =	sdelay $0x1  }
0x73: {  	v3 =	vadd.s32 v1, v3;
	_ =	sdelay $0x1  }
0x74: {  	s25 =	simm.s32 $0x4200  }
0x75: {  	[tilespmem:s25], [sflag:$0x1] =	stream.indirect_vreg.gather [hbm4b:s2+s3], $0x80, v4, vm0, $0xb8;
	[tilespmem:$0x10200] =	vst v63  }
0x76: {  	s26 =	simm.s32 $0x4A00  }
0x77: {  	[tilespmem:s26], [sflag:$0x1] =	stream.indirect_vreg.gather [hbm4b:s2+s3], $0x80, v3, vm0, $0xb8;
	[tilespmem:$0x10200] =	vst v63  }
0x78: {  	v3 =	vld [tilespmem:$0x150];
	_ =	sdelay $0x4  }
0x79: {  	v34 =	vshll.u32 v3, $0x1  }
0x7a: {  	v3 =	vand.u32 $0x7, v3;
	v4 =	vand.u32 $0xFFFFFFF0, v34  }
0x7b: {  	v3 =	vor.u32 v3, v4  }
0x7c: {  	v4 =	vperm.xlane v3, v0;
	_ =	sdelay $0x1  }
0x7d: {  	v3 =	vperm.xlane v3, v2;
	v4 =	vadd.s32 v1, v4;
	_ =	sdelay $0x1  }
0x7e: {  	v3 =	vadd.s32 v1, v3;
	_ =	sdelay $0x1  }
0x7f: {  	s28 =	simm.s32 $0x5200  }
0x80: {  	[tilespmem:s28], [sflag:$0x1] =	stream.indirect_vreg.gather [hbm4b:s2+s3], $0x80, v4, vm0, $0xb8;
	[tilespmem:$0x10200] =	vst v63  }
0x81: {  	s25 =	simm.s32 $0x5A00  }
0x82: {  	[tilespmem:s25], [sflag:$0x1] =	stream.indirect_vreg.gather [hbm4b:s2+s3], $0x80, v3, vm0, $0xb8;
	[tilespmem:$0x10200] =	vst v63  }
0x83: {  	v3 =	vld [tilespmem:$0x160];
	_ =	sdelay $0x4  }
0x84: {  	v35 =	vshll.u32 v3, $0x1  }
0x85: {  	v3 =	vand.u32 $0x7, v3;
	v4 =	vand.u32 $0xFFFFFFF0, v35  }
0x86: {  	v3 =	vor.u32 v3, v4  }
0x87: {  	v4 =	vperm.xlane v3, v0;
	_ =	sdelay $0x1  }
0x88: {  	v3 =	vperm.xlane v3, v2;
	v4 =	vadd.s32 v1, v4;
	_ =	sdelay $0x1  }
0x89: {  	v3 =	vadd.s32 v1, v3;
	_ =	sdelay $0x1  }
0x8a: {  	s26 =	simm.s32 $0x6200  }
0x8b: {  	[tilespmem:s26], [sflag:$0x1] =	stream.indirect_vreg.gather [hbm4b:s2+s3], $0x80, v4, vm0, $0xb8;
	[tilespmem:$0x10200] =	vst v63  }
0x8c: {  	s28 =	simm.s32 $0x6A00  }
0x8d: {  	[tilespmem:s28], [sflag:$0x1] =	stream.indirect_vreg.gather [hbm4b:s2+s3], $0x80, v3, vm0, $0xb8;
	[tilespmem:$0x10200] =	vst v63  }
0x8e: {  	v3 =	vld [tilespmem:$0x170];
	_ =	sdelay $0x4  }
0x8f: {  	v36 =	vshll.u32 v3, $0x1  }
0x90: {  	v3 =	vand.u32 $0x7, v3;
	v4 =	vand.u32 $0xFFFFFFF0, v36  }
0x91: {  	v3 =	vor.u32 v3, v4  }
0x92: {  	v4 =	vperm.xlane v3, v0;
	_ =	sdelay $0x1  }
0x93: {  	v3 =	vperm.xlane v3, v2;
	v4 =	vadd.s32 v1, v4;
	_ =	sdelay $0x1  }
0x94: {  	v3 =	vadd.s32 v1, v3;
	_ =	sdelay $0x1  }
0x95: {  	s25 =	simm.s32 $0x7200  }
0x96: {  	[tilespmem:s25], [sflag:$0x1] =	stream.indirect_vreg.gather [hbm4b:s2+s3], $0x80, v4, vm0, $0xb8;
	[tilespmem:$0x10200] =	vst v63  }
0x97: {  	s26 =	simm.s32 $0x7A00  }
0x98: {  	[tilespmem:s26], [sflag:$0x1] =	stream.indirect_vreg.gather [hbm4b:s2+s3], $0x80, v3, vm0, $0xb8;
	[tilespmem:$0x10200] =	vst v63  }
0x99: {  	s28 =	rddreg [dreg:$0x5]  }
0x9a: {  	[tilespmem:s29], [sflag:$0x5] =	stream.linear.gather [hbm4b:s28+s3], $0x80, $0x38;
	[tilespmem:$0x10200] =	vst v63  }
0x9b: {  	_ =	swait.ge [sflag:s11], $0x80  }
0x9c: {  	[sflag:s11] =	ssyncset.done $0x0  }
0x9d: {  	[sflag:s11] =	ssyncadd.s32 $0xFFFFFF80  }
0x9e: {  	v3 =	vld [tilespmem:$0x80]  }
0x9f: {  	v37 =	vld [tilespmem:$0x90]  }
0xa0: {  	v38 =	vld [tilespmem:$0xA0]  }
0xa1: {  	v39 =	vld [tilespmem:$0xB0]  }
0xa2: {  	v40 =	vld [tilespmem:$0xC0]  }
0xa3: {  	v41 =	vld [tilespmem:$0xD0]  }
0xa4: {  	v42 =	vld [tilespmem:$0xE0]  }
0xa5: {  	v45 =	vld [tilespmem:$0xF0];
	_ =	sdelay $0x1  }
0xa6: {  	v3 =	vmax.f32 v3, $1.999999950e-04;
	v4 =	vmax.f32 v37, $1.999999950e-04;
	v5 =	vmax.f32 v38, $1.999999950e-04  }
0xa7: {  	v6 =	vmax.f32 v39, $1.999999950e-04;
	v7 =	vmax.f32 v40, $1.999999950e-04;
	v8 =	vmax.f32 v41, $1.999999950e-04  }
0xa8: {  	v9 =	vmax.f32 v42, $1.999999950e-04;
	v3 =	vmul.f32 $5.000000000e+03, v3;
	v4 =	vmul.f32 $5.000000000e+03, v4  }
0xa9: {  	v11 =	vmax.f32 v45, $1.999999950e-04;
	v5 =	vmul.f32 $5.000000000e+03, v5;
	v6 =	vmul.f32 $5.000000000e+03, v6  }
0xaa: {  	v7 =	vmul.f32 $5.000000000e+03, v7;
	v8 =	vmul.f32 $5.000000000e+03, v8;
	v3 =	vadd.f32 $1.258291200e+07, v3  }
0xab: {  	v9 =	vmul.f32 $5.000000000e+03, v9;
	v4 =	vadd.f32 $1.258291200e+07, v4;
	v5 =	vadd.f32 $1.258291200e+07, v5  }
0xac: {  	v11 =	vmul.f32 $5.000000000e+03, v11;
	v6 =	vadd.f32 $1.258291200e+07, v6;
	v7 =	vadd.f32 $1.258291200e+07, v7  }
0xad: {  	v8 =	vadd.f32 $1.258291200e+07, v8;
	v9 =	vadd.f32 $1.258291200e+07, v9  }
0xae: {  	v11 =	vadd.f32 $1.258291200e+07, v11;
	v3 =	vadd.f32 $-1.258291200e+07, v3  }
0xaf: {  	v4 =	vadd.f32 $-1.258291200e+07, v4;
	v5 =	vadd.f32 $-1.258291200e+07, v5  }
0xb0: {  	v6 =	vadd.f32 $-1.258291200e+07, v6;
	v7 =	vadd.f32 $-1.258291200e+07, v7  }
0xb1: {  	v8 =	vadd.f32 $-1.258291200e+07, v8;
	v3 =	vtrunc.f32 v3;
	v4 =	vtrunc.f32 v4  }
0xb2: {  	v9 =	vadd.f32 $-1.258291200e+07, v9;
	v5 =	vtrunc.f32 v5;
	v3 =	vcvt.f32.s32 v3  }
0xb3: {  	v49 =	vadd.f32 $-1.258291200e+07, v11;
	v6 =	vtrunc.f32 v6;
	v7 =	vtrunc.f32 v7  }
0xb4: {  	v47 =	vtrunc.f32 v8;
	v48 =	vtrunc.f32 v9;
	v3 =	vadd.s32 $0xFFFFFFFF, v3  }
0xb5: {  	v4 =	vcvt.f32.s32 v4;
	v5 =	vcvt.f32.s32 v5;
	v43 =	vshll.u32 v3, $0x1  }
0xb6: {  	v6 =	vcvt.f32.s32 v6;
	v44 =	vand.u32 $0x7, v3;
	v10 =	vand.u32 $0xFFFFFFF0, v43  }
0xb7: {  	v46 =	vcvt.f32.s32 v7;
	v4 =	vadd.s32 $0xFFFFFFFF, v4;
	[tilespmem:$0x180] =	vst v3;
	v10 =	vor.u32 v44, v10  }
0xb8: {  	v52 =	vcvt.f32.s32 v47;
	v5 =	vadd.s32 $0xFFFFFFFF, v5;
	[tilespmem:$0x190] =	vst v4;
	v50 =	vperm.xlane v10, v0  }
0xb9: {  	v51 =	vadd.s32 $0xFFFFFFFF, v46;
	v3 =	vadd.s32 $0xFFFFFFFF, v6;
	[tilespmem:$0x1A0] =	vst v5;
	v4 =	vcvt.f32.s32 v48  }
0xba: {  	[tilespmem:$0x1B0] =	vst v3;
	v3 =	vtrunc.f32 v49;
	v54 =	vperm.xlane v10, v2;
	v53 =	vadd.s32 v1, v50  }
0xbb: {  	v55 =	vadd.s32 $0xFFFFFFFF, v52;
	[tilespmem:$0x1C0] =	vst v51;
	v3 =	vcvt.f32.s32 v3  }
0xbc: {  	[tilespmem:$0x1D0] =	vst v55;
	v4 =	vadd.s32 $0xFFFFFFFF, v4;
	v56 =	vadd.s32 v1, v54  }
0xbd: {  	[tilespmem:$0x1E0] =	vst v4;
	v3 =	vadd.s32 $0xFFFFFFFF, v3  }
0xbe: {  	[tilespmem:$0x1F0] =	vst v3  }
0xbf: {  	[tilespmem:s30], [sflag:$0x2] =	stream.indirect_vreg.gather [hbm4b:s2+s3], $0x80, v53, vm0, $0xb8;
	[tilespmem:$0x10200] =	vst v63  }
0xc0: {  	_ = 	snop  }
0xc1: {  	[tilespmem:s31], [sflag:$0x2] =	stream.indirect_vreg.gather [hbm4b:s2+s3], $0x80, v56, vm0, $0xb8;
	[tilespmem:$0x10200] =	vst v63  }
0xc2: {  	v3 =	vld [tilespmem:$0x190];
	_ =	sdelay $0x4  }
0xc3: {  	v57 =	vshll.u32 v3, $0x1  }
0xc4: {  	v3 =	vand.u32 $0x7, v3;
	v4 =	vand.u32 $0xFFFFFFF0, v57  }
0xc5: {  	v3 =	vor.u32 v3, v4  }
0xc6: {  	v4 =	vperm.xlane v3, v0;
	_ =	sdelay $0x1  }
0xc7: {  	v3 =	vperm.xlane v3, v2;
	v4 =	vadd.s32 v1, v4;
	_ =	sdelay $0x1  }
0xc8: {  	v3 =	vadd.s32 v1, v3;
	_ =	sdelay $0x2  }
0xc9: {  	[tilespmem:s0], [sflag:$0x2] =	stream.indirect_vreg.gather [hbm4b:s2+s3], $0x80, v4, vm0, $0xb8;
	[tilespmem:$0x10200] =	vst v63  }
0xca: {  	_ = 	snop  }
0xcb: {  	[tilespmem:s1], [sflag:$0x2] =	stream.indirect_vreg.gather [hbm4b:s2+s3], $0x80, v3, vm0, $0xb8;
	[tilespmem:$0x10200] =	vst v63  }
0xcc: {  	v3 =	vld [tilespmem:$0x1A0];
	_ =	sdelay $0x4  }
0xcd: {  	v58 =	vshll.u32 v3, $0x1  }
0xce: {  	v3 =	vand.u32 $0x7, v3;
	v4 =	vand.u32 $0xFFFFFFF0, v58  }
0xcf: {  	v3 =	vor.u32 v3, v4  }
0xd0: {  	v4 =	vperm.xlane v3, v0;
	_ =	sdelay $0x1  }
0xd1: {  	v3 =	vperm.xlane v3, v2;
	v4 =	vadd.s32 v1, v4;
	_ =	sdelay $0x1  }
0xd2: {  	v3 =	vadd.s32 v1, v3;
	_ =	sdelay $0x2  }
0xd3: {  	[tilespmem:s5], [sflag:$0x2] =	stream.indirect_vreg.gather [hbm4b:s2+s3], $0x80, v4, vm0, $0xb8;
	[tilespmem:$0x10200] =	vst v63  }
0xd4: {  	_ = 	snop  }
0xd5: {  	[tilespmem:s6], [sflag:$0x2] =	stream.indirect_vreg.gather [hbm4b:s2+s3], $0x80, v3, vm0, $0xb8;
	[tilespmem:$0x10200] =	vst v63  }
0xd6: {  	v3 =	vld [tilespmem:$0x1B0];
	_ =	sdelay $0x4  }
0xd7: {  	v59 =	vshll.u32 v3, $0x1  }
0xd8: {  	v3 =	vand.u32 $0x7, v3;
	v4 =	vand.u32 $0xFFFFFFF0, v59  }
0xd9: {  	v3 =	vor.u32 v3, v4  }
0xda: {  	v4 =	vperm.xlane v3, v0;
	_ =	sdelay $0x1  }
0xdb: {  	v3 =	vperm.xlane v3, v2;
	v4 =	vadd.s32 v1, v4;
	_ =	sdelay $0x1  }
0xdc: {  	v3 =	vadd.s32 v1, v3;
	_ =	sdelay $0x2  }
0xdd: {  	[tilespmem:s7], [sflag:$0x2] =	stream.indirect_vreg.gather [hbm4b:s2+s3], $0x80, v4, vm0, $0xb8;
	[tilespmem:$0x10200] =	vst v63  }
0xde: {  	_ = 	snop  }
0xdf: {  	[tilespmem:s4], [sflag:$0x2] =	stream.indirect_vreg.gather [hbm4b:s2+s3], $0x80, v3, vm0, $0xb8;
	[tilespmem:$0x10200] =	vst v63  }
0xe0: {  	v3 =	vld [tilespmem:$0x1C0];
	_ =	sdelay $0x4  }
0xe1: {  	v60 =	vshll.u32 v3, $0x1  }
0xe2: {  	v3 =	vand.u32 $0x7, v3;
	v4 =	vand.u32 $0xFFFFFFF0, v60  }
0xe3: {  	v3 =	vor.u32 v3, v4  }
0xe4: {  	v4 =	vperm.xlane v3, v0;
	_ =	sdelay $0x1  }
0xe5: {  	v3 =	vperm.xlane v3, v2;
	v4 =	vadd.s32 v1, v4;
	_ =	sdelay $0x1  }
0xe6: {  	v3 =	vadd.s32 v1, v3;
	_ =	sdelay $0x2  }
0xe7: {  	[tilespmem:s10], [sflag:$0x2] =	stream.indirect_vreg.gather [hbm4b:s2+s3], $0x80, v4, vm0, $0xb8;
	[tilespmem:$0x10200] =	vst v63  }
0xe8: {  	_ = 	snop  }
0xe9: {  	[tilespmem:s13], [sflag:$0x2] =	stream.indirect_vreg.gather [hbm4b:s2+s3], $0x80, v3, vm0, $0xb8;
	[tilespmem:$0x10200] =	vst v63  }
0xea: {  	v3 =	vld [tilespmem:$0x1D0];
	_ =	sdelay $0x4  }
0xeb: {  	v61 =	vshll.u32 v3, $0x1  }
0xec: {  	v3 =	vand.u32 $0x7, v3;
	v4 =	vand.u32 $0xFFFFFFF0, v61  }
0xed: {  	v3 =	vor.u32 v3, v4  }
0xee: {  	v4 =	vperm.xlane v3, v0;
	_ =	sdelay $0x1  }
0xef: {  	v3 =	vperm.xlane v3, v2;
	v4 =	vadd.s32 v1, v4;
	_ =	sdelay $0x1  }
0xf0: {  	v3 =	vadd.s32 v1, v3;
	_ =	sdelay $0x2  }
0xf1: {  	[tilespmem:s14], [sflag:$0x2] =	stream.indirect_vreg.gather [hbm4b:s2+s3], $0x80, v4, vm0, $0xb8;
	[tilespmem:$0x10200] =	vst v63  }
0xf2: {  	_ = 	snop  }
0xf3: {  	[tilespmem:s15], [sflag:$0x2] =	stream.indirect_vreg.gather [hbm4b:s2+s3], $0x80, v3, vm0, $0xb8;
	[tilespmem:$0x10200] =	vst v63  }
0xf4: {  	v3 =	vld [tilespmem:$0x1E0];
	_ =	sdelay $0x4  }
0xf5: {  	v62 =	vshll.u32 v3, $0x1  }
0xf6: {  	v3 =	vand.u32 $0x7, v3;
	v4 =	vand.u32 $0xFFFFFFF0, v62  }
0xf7: {  	v3 =	vor.u32 v3, v4  }
0xf8: {  	v4 =	vperm.xlane v3, v0;
	_ =	sdelay $0x1  }
0xf9: {  	v3 =	vperm.xlane v3, v2;
	v4 =	vadd.s32 v1, v4;
	_ =	sdelay $0x1  }
0xfa: {  	v3 =	vadd.s32 v1, v3;
	_ =	sdelay $0x2  }
0xfb: {  	[tilespmem:s16], [sflag:$0x2] =	stream.indirect_vreg.gather [hbm4b:s2+s3], $0x80, v4, vm0, $0xb8;
	[tilespmem:$0x10200] =	vst v63  }
0xfc: {  	_ = 	snop  }
0xfd: {  	[tilespmem:s17], [sflag:$0x2] =	stream.indirect_vreg.gather [hbm4b:s2+s3], $0x80, v3, vm0, $0xb8;
	[tilespmem:$0x10200] =	vst v63  }
0xfe: {  	v3 =	vld [tilespmem:$0x1F0];
	_ =	sdelay $0x4  }
0xff: {  	v63 =	vshll.u32 v3, $0x1  }
0x100: {  	v3 =	vand.u32 $0x7, v3;
	v4 =	vand.u32 $0xFFFFFFF0, v63  }
0x101: {  	v3 =	vor.u32 v3, v4  }
0x102: {  	v4 =	vperm.xlane v3, v0;
	_ =	sdelay $0x1  }
0x103: {  	v3 =	vperm.xlane v3, v2;
	v4 =	vadd.s32 v1, v4;
	_ =	sdelay $0x1  }
0x104: {  	v3 =	vadd.s32 v1, v3;
	_ =	sdelay $0x1  }
0x105: {  	s24 =	rddreg [dreg:$0x8]  }
0x106: {  	[tilespmem:s18], [sflag:$0x2] =	stream.indirect_vreg.gather [hbm4b:s2+s3], $0x80, v4, vm0, $0xb8;
	[tilespmem:$0x10200] =	vst v63  }
0x107: {  	s25 =	simm.s32 $0x0;
	s26 =	rddreg [dreg:$0x7]  }
0x108: {  	[tilespmem:s19], [sflag:$0x2] =	stream.indirect_vreg.gather [hbm4b:s2+s3], $0x80, v3, vm0, $0xb8;
	[tilespmem:$0x10200] =	vst v63  }
.LBB2_2:
0x109: {  	_ =	swait.ge [sflag:s20], $0x8000  }
0x10a: {  	[sflag:s20] =	ssyncset.done $0x0  }
0x10b: {  	[sflag:s20] =	ssyncadd.s32 $0xFFFF8000  }
0x10c: {  	[hbm4b:s26+s3] =	stream.linear.scatter [tilespmem:s12], [sflag:$0x3], $0x8000, $0x38;
	[tilespmem:$0x10200] =	vst v63  }
0x10d: {  	_ =	swait.ge [sflag:s21], $0x8000  }
0x10e: {  	p0 =	seq.s32 s25, $0x620;
	[sflag:s21] =	ssyncset.done $0x0  }
.Ltmp2:
0x10f: {  	[sflag:s21] =	ssyncadd.s32 $0xFFFF8000;
	(pc) =	sbr.rel @p0 .LBB2_4-.Ltmp2, $4  }
0x110: {  	[hbm4b:s24+s3] =	stream.linear.scatter [tilespmem:s30], [sflag:$0x4], $0x8000, $0x38;
	[tilespmem:$0x10200] =	vst v63  }
0x111: {  	_ =	swait.ge [sflag:s22], $0x8000  }
0x112: {  	[sflag:s22] =	ssyncset.done $0x0  }
0x113: {  	[sflag:s22] =	ssyncadd.s32 $0xFFFF8000  }
0x114: {  	s28 =	sadd.s32 s25, s9  }
0x115: {  	[tilespmem:s3], [sflag:$0x5] =	stream.linear.gather [hbm4b:s28+s3], $0x80, $0x38;
	[tilespmem:$0x10200] =	vst v63  }
0x116: {  	_ =	swait.ge [sflag:s11], $0x80  }
0x117: {  	[sflag:s11] =	ssyncset.done $0x0  }
0x118: {  	[sflag:s11] =	ssyncadd.s32 $0xFFFFFF80  }
0x119: {  	v3 =	vld [tilespmem:$0x0]  }
0x11a: {  	v4 =	vld [tilespmem:$0x10]  }
0x11b: {  	v5 =	vld [tilespmem:$0x20]  }
0x11c: {  	v6 =	vld [tilespmem:$0x30]  }
0x11d: {  	v7 =	vld [tilespmem:$0x40]  }
0x11e: {  	v8 =	vld [tilespmem:$0x50]  }
0x11f: {  	v9 =	vld [tilespmem:$0x60]  }
0x120: {  	v10 =	vld [tilespmem:$0x70];
	_ =	sdelay $0x1  }
0x121: {  	v3 =	vmax.f32 v3, $1.999999950e-04;
	v4 =	vmax.f32 v4, $1.999999950e-04;
	v5 =	vmax.f32 v5, $1.999999950e-04  }
0x122: {  	v6 =	vmax.f32 v6, $1.999999950e-04;
	v7 =	vmax.f32 v7, $1.999999950e-04;
	v8 =	vmax.f32 v8, $1.999999950e-04  }
0x123: {  	v9 =	vmax.f32 v9, $1.999999950e-04;
	v3 =	vmul.f32 $5.000000000e+03, v3;
	v4 =	vmul.f32 $5.000000000e+03, v4  }
0x124: {  	v10 =	vmax.f32 v10, $1.999999950e-04;
	v5 =	vmul.f32 $5.000000000e+03, v5;
	v6 =	vmul.f32 $5.000000000e+03, v6  }
0x125: {  	v7 =	vmul.f32 $5.000000000e+03, v7;
	v8 =	vmul.f32 $5.000000000e+03, v8;
	v3 =	vadd.f32 $1.258291200e+07, v3  }
0x126: {  	v9 =	vmul.f32 $5.000000000e+03, v9;
	v4 =	vadd.f32 $1.258291200e+07, v4;
	v5 =	vadd.f32 $1.258291200e+07, v5  }
0x127: {  	v10 =	vmul.f32 $5.000000000e+03, v10;
	v6 =	vadd.f32 $1.258291200e+07, v6;
	v7 =	vadd.f32 $1.258291200e+07, v7  }
0x128: {  	v8 =	vadd.f32 $1.258291200e+07, v8;
	v9 =	vadd.f32 $1.258291200e+07, v9  }
0x129: {  	v10 =	vadd.f32 $1.258291200e+07, v10;
	v3 =	vadd.f32 $-1.258291200e+07, v3  }
0x12a: {  	v4 =	vadd.f32 $-1.258291200e+07, v4;
	v5 =	vadd.f32 $-1.258291200e+07, v5  }
0x12b: {  	v6 =	vadd.f32 $-1.258291200e+07, v6;
	v7 =	vadd.f32 $-1.258291200e+07, v7  }
0x12c: {  	v8 =	vadd.f32 $-1.258291200e+07, v8;
	v3 =	vtrunc.f32 v3;
	v4 =	vtrunc.f32 v4  }
0x12d: {  	v9 =	vadd.f32 $-1.258291200e+07, v9;
	v5 =	vtrunc.f32 v5;
	v3 =	vcvt.f32.s32 v3  }
0x12e: {  	v23 =	vadd.f32 $-1.258291200e+07, v10;
	v6 =	vtrunc.f32 v6;
	v7 =	vtrunc.f32 v7  }
0x12f: {  	v20 =	vtrunc.f32 v8;
	v22 =	vtrunc.f32 v9;
	v3 =	vadd.s32 $0xFFFFFFFF, v3  }
0x130: {  	v26 =	vtrunc.f32 v23;
	v4 =	vcvt.f32.s32 v4;
	v11 =	vshll.u32 v3, $0x1  }
0x131: {  	v5 =	vcvt.f32.s32 v5;
	v12 =	vand.u32 $0x7, v3;
	v11 =	vand.u32 $0xFFFFFFF0, v11  }
0x132: {  	v6 =	vcvt.f32.s32 v6;
	v4 =	vadd.s32 $0xFFFFFFFF, v4;
	[tilespmem:$0x100] =	vst v3;
	v21 =	vor.u32 v12, v11  }
0x133: {  	v5 =	vadd.s32 $0xFFFFFFFF, v5;
	v3 =	vcvt.f32.s32 v7;
	[tilespmem:$0x110] =	vst v4;
	v24 =	vperm.xlane v21, v0  }
0x134: {  	v25 =	vcvt.f32.s32 v20;
	v6 =	vadd.s32 $0xFFFFFFFF, v6;
	[tilespmem:$0x120] =	vst v5;
	v4 =	vcvt.f32.s32 v22  }
0x135: {  	[tilespmem:$0x130] =	vst v6;
	v3 =	vadd.s32 $0xFFFFFFFF, v3;
	v8 =	vperm.xlane v21, v2;
	v27 =	vadd.s32 v1, v24  }
0x136: {  	v28 =	vcvt.f32.s32 v26;
	[tilespmem:$0x140] =	vst v3;
	v3 =	vadd.s32 $0xFFFFFFFF, v25  }
0x137: {  	[tilespmem:$0x150] =	vst v3;
	v3 =	vadd.s32 $0xFFFFFFFF, v4;
	v29 =	vadd.s32 v1, v8  }
0x138: {  	[tilespmem:$0x160] =	vst v3;
	v3 =	vadd.s32 $0xFFFFFFFF, v28  }
0x139: {  	[tilespmem:$0x170] =	vst v3  }
0x13a: {  	[tilespmem:s12], [sflag:$0x1] =	stream.indirect_vreg.gather [hbm4b:s2+s3], $0x80, v27, vm0, $0xb8;
	[tilespmem:$0x10200] =	vst v63  }
0x13b: {  	s28 =	simm.s32 $0xA00  }
0x13c: {  	[tilespmem:s28], [sflag:$0x1] =	stream.indirect_vreg.gather [hbm4b:s2+s3], $0x80, v29, vm0, $0xb8;
	[tilespmem:$0x10200] =	vst v63  }
0x13d: {  	v3 =	vld [tilespmem:$0x110];
	_ =	sdelay $0x4  }
0x13e: {  	v30 =	vshll.u32 v3, $0x1  }
0x13f: {  	v3 =	vand.u32 $0x7, v3;
	v4 =	vand.u32 $0xFFFFFFF0, v30  }
0x140: {  	v3 =	vor.u32 v3, v4  }
0x141: {  	v4 =	vperm.xlane v3, v0;
	_ =	sdelay $0x1  }
0x142: {  	v3 =	vperm.xlane v3, v2;
	v4 =	vadd.s32 v1, v4;
	_ =	sdelay $0x1  }
0x143: {  	v3 =	vadd.s32 v1, v3;
	_ =	sdelay $0x1  }
0x144: {  	s28 =	simm.s32 $0x1200  }
0x145: {  	[tilespmem:s28], [sflag:$0x1] =	stream.indirect_vreg.gather [hbm4b:s2+s3], $0x80, v4, vm0, $0xb8;
	[tilespmem:$0x10200] =	vst v63  }
0x146: {  	s28 =	simm.s32 $0x1A00  }
0x147: {  	[tilespmem:s28], [sflag:$0x1] =	stream.indirect_vreg.gather [hbm4b:s2+s3], $0x80, v3, vm0, $0xb8;
	[tilespmem:$0x10200] =	vst v63  }
0x148: {  	v3 =	vld [tilespmem:$0x120];
	_ =	sdelay $0x4  }
0x149: {  	v31 =	vshll.u32 v3, $0x1  }
0x14a: {  	v3 =	vand.u32 $0x7, v3;
	v4 =	vand.u32 $0xFFFFFFF0, v31  }
0x14b: {  	v3 =	vor.u32 v3, v4  }
0x14c: {  	v4 =	vperm.xlane v3, v0;
	_ =	sdelay $0x1  }
0x14d: {  	v3 =	vperm.xlane v3, v2;
	v4 =	vadd.s32 v1, v4;
	_ =	sdelay $0x1  }
0x14e: {  	v3 =	vadd.s32 v1, v3;
	_ =	sdelay $0x1  }
0x14f: {  	s28 =	simm.s32 $0x2200  }
0x150: {  	[tilespmem:s28], [sflag:$0x1] =	stream.indirect_vreg.gather [hbm4b:s2+s3], $0x80, v4, vm0, $0xb8;
	[tilespmem:$0x10200] =	vst v63  }
0x151: {  	s28 =	simm.s32 $0x2A00  }
0x152: {  	[tilespmem:s28], [sflag:$0x1] =	stream.indirect_vreg.gather [hbm4b:s2+s3], $0x80, v3, vm0, $0xb8;
	[tilespmem:$0x10200] =	vst v63  }
0x153: {  	v3 =	vld [tilespmem:$0x130];
	_ =	sdelay $0x4  }
0x154: {  	v32 =	vshll.u32 v3, $0x1  }
0x155: {  	v3 =	vand.u32 $0x7, v3;
	v4 =	vand.u32 $0xFFFFFFF0, v32  }
0x156: {  	v3 =	vor.u32 v3, v4  }
0x157: {  	v4 =	vperm.xlane v3, v0;
	_ =	sdelay $0x1  }
0x158: {  	v3 =	vperm.xlane v3, v2;
	v4 =	vadd.s32 v1, v4;
	_ =	sdelay $0x1  }
0x159: {  	v3 =	vadd.s32 v1, v3;
	_ =	sdelay $0x1  }
0x15a: {  	s28 =	simm.s32 $0x3200  }
0x15b: {  	[tilespmem:s28], [sflag:$0x1] =	stream.indirect_vreg.gather [hbm4b:s2+s3], $0x80, v4, vm0, $0xb8;
	[tilespmem:$0x10200] =	vst v63  }
0x15c: {  	s28 =	simm.s32 $0x3A00  }
0x15d: {  	[tilespmem:s28], [sflag:$0x1] =	stream.indirect_vreg.gather [hbm4b:s2+s3], $0x80, v3, vm0, $0xb8;
	[tilespmem:$0x10200] =	vst v63  }
0x15e: {  	v3 =	vld [tilespmem:$0x140];
	_ =	sdelay $0x4  }
0x15f: {  	v33 =	vshll.u32 v3, $0x1  }
0x160: {  	v3 =	vand.u32 $0x7, v3;
	v4 =	vand.u32 $0xFFFFFFF0, v33  }
0x161: {  	v3 =	vor.u32 v3, v4  }
0x162: {  	v4 =	vperm.xlane v3, v0;
	_ =	sdelay $0x1  }
0x163: {  	v3 =	vperm.xlane v3, v2;
	v4 =	vadd.s32 v1, v4;
	_ =	sdelay $0x1  }
0x164: {  	v3 =	vadd.s32 v1, v3;
	_ =	sdelay $0x1  }
0x165: {  	s28 =	simm.s32 $0x4200  }
0x166: {  	[tilespmem:s28], [sflag:$0x1] =	stream.indirect_vreg.gather [hbm4b:s2+s3], $0x80, v4, vm0, $0xb8;
	[tilespmem:$0x10200] =	vst v63  }
0x167: {  	s28 =	simm.s32 $0x4A00  }
0x168: {  	[tilespmem:s28], [sflag:$0x1] =	stream.indirect_vreg.gather [hbm4b:s2+s3], $0x80, v3, vm0, $0xb8;
	[tilespmem:$0x10200] =	vst v63  }
0x169: {  	v3 =	vld [tilespmem:$0x150];
	_ =	sdelay $0x4  }
0x16a: {  	v34 =	vshll.u32 v3, $0x1  }
0x16b: {  	v3 =	vand.u32 $0x7, v3;
	v4 =	vand.u32 $0xFFFFFFF0, v34  }
0x16c: {  	v3 =	vor.u32 v3, v4  }
0x16d: {  	v4 =	vperm.xlane v3, v0;
	_ =	sdelay $0x1  }
0x16e: {  	v3 =	vperm.xlane v3, v2;
	v4 =	vadd.s32 v1, v4;
	_ =	sdelay $0x1  }
0x16f: {  	v3 =	vadd.s32 v1, v3;
	_ =	sdelay $0x1  }
0x170: {  	s28 =	simm.s32 $0x5200  }
0x171: {  	[tilespmem:s28], [sflag:$0x1] =	stream.indirect_vreg.gather [hbm4b:s2+s3], $0x80, v4, vm0, $0xb8;
	[tilespmem:$0x10200] =	vst v63  }
0x172: {  	s28 =	simm.s32 $0x5A00  }
0x173: {  	[tilespmem:s28], [sflag:$0x1] =	stream.indirect_vreg.gather [hbm4b:s2+s3], $0x80, v3, vm0, $0xb8;
	[tilespmem:$0x10200] =	vst v63  }
0x174: {  	v3 =	vld [tilespmem:$0x160];
	_ =	sdelay $0x4  }
0x175: {  	v35 =	vshll.u32 v3, $0x1  }
0x176: {  	v3 =	vand.u32 $0x7, v3;
	v4 =	vand.u32 $0xFFFFFFF0, v35  }
0x177: {  	v3 =	vor.u32 v3, v4  }
0x178: {  	v4 =	vperm.xlane v3, v0;
	_ =	sdelay $0x1  }
0x179: {  	v3 =	vperm.xlane v3, v2;
	v4 =	vadd.s32 v1, v4;
	_ =	sdelay $0x1  }
0x17a: {  	v3 =	vadd.s32 v1, v3;
	_ =	sdelay $0x1  }
0x17b: {  	s28 =	simm.s32 $0x6200  }
0x17c: {  	[tilespmem:s28], [sflag:$0x1] =	stream.indirect_vreg.gather [hbm4b:s2+s3], $0x80, v4, vm0, $0xb8;
	[tilespmem:$0x10200] =	vst v63  }
0x17d: {  	s28 =	simm.s32 $0x6A00  }
0x17e: {  	[tilespmem:s28], [sflag:$0x1] =	stream.indirect_vreg.gather [hbm4b:s2+s3], $0x80, v3, vm0, $0xb8;
	[tilespmem:$0x10200] =	vst v63  }
0x17f: {  	v3 =	vld [tilespmem:$0x170];
	_ =	sdelay $0x4  }
0x180: {  	v36 =	vshll.u32 v3, $0x1  }
0x181: {  	v3 =	vand.u32 $0x7, v3;
	v4 =	vand.u32 $0xFFFFFFF0, v36  }
0x182: {  	v3 =	vor.u32 v3, v4  }
0x183: {  	v4 =	vperm.xlane v3, v0;
	_ =	sdelay $0x1  }
0x184: {  	v3 =	vperm.xlane v3, v2;
	v4 =	vadd.s32 v1, v4;
	_ =	sdelay $0x1  }
0x185: {  	v3 =	vadd.s32 v1, v3;
	_ =	sdelay $0x1  }
0x186: {  	s28 =	simm.s32 $0x7200  }
0x187: {  	[tilespmem:s28], [sflag:$0x1] =	stream.indirect_vreg.gather [hbm4b:s2+s3], $0x80, v4, vm0, $0xb8;
	[tilespmem:$0x10200] =	vst v63  }
0x188: {  	s28 =	simm.s32 $0x7A00  }
0x189: {  	[tilespmem:s28], [sflag:$0x1] =	stream.indirect_vreg.gather [hbm4b:s2+s3], $0x80, v3, vm0, $0xb8;
	[tilespmem:$0x10200] =	vst v63  }
0x18a: {  	_ =	swait.ge [sflag:s23], $0x8000  }
0x18b: {  	[sflag:s23] =	ssyncset.done $0x0  }
0x18c: {  	s28 =	sadd.s32 s25, s8;
	[sflag:s23] =	ssyncadd.s32 $0xFFFF8000  }
0x18d: {  	[tilespmem:s29], [sflag:$0x5] =	stream.linear.gather [hbm4b:s28+s3], $0x80, $0x38;
	[tilespmem:$0x10200] =	vst v63  }
0x18e: {  	_ =	swait.ge [sflag:s11], $0x80  }
0x18f: {  	[sflag:s11] =	ssyncset.done $0x0  }
0x190: {  	[sflag:s11] =	ssyncadd.s32 $0xFFFFFF80  }
0x191: {  	v3 =	vld [tilespmem:$0x80]  }
0x192: {  	v37 =	vld [tilespmem:$0x90]  }
0x193: {  	v38 =	vld [tilespmem:$0xA0]  }
0x194: {  	v39 =	vld [tilespmem:$0xB0]  }
0x195: {  	v40 =	vld [tilespmem:$0xC0]  }
0x196: {  	v41 =	vld [tilespmem:$0xD0]  }
0x197: {  	v42 =	vld [tilespmem:$0xE0]  }
0x198: {  	v45 =	vld [tilespmem:$0xF0];
	_ =	sdelay $0x1  }
0x199: {  	v3 =	vmax.f32 v3, $1.999999950e-04;
	v4 =	vmax.f32 v37, $1.999999950e-04;
	v5 =	vmax.f32 v38, $1.999999950e-04  }
0x19a: {  	v6 =	vmax.f32 v39, $1.999999950e-04;
	v7 =	vmax.f32 v40, $1.999999950e-04;
	v8 =	vmax.f32 v41, $1.999999950e-04  }
0x19b: {  	v9 =	vmax.f32 v42, $1.999999950e-04;
	v3 =	vmul.f32 $5.000000000e+03, v3;
	v4 =	vmul.f32 $5.000000000e+03, v4  }
0x19c: {  	v11 =	vmax.f32 v45, $1.999999950e-04;
	v5 =	vmul.f32 $5.000000000e+03, v5;
	v6 =	vmul.f32 $5.000000000e+03, v6  }
0x19d: {  	v7 =	vmul.f32 $5.000000000e+03, v7;
	v8 =	vmul.f32 $5.000000000e+03, v8;
	v3 =	vadd.f32 $1.258291200e+07, v3  }
0x19e: {  	v9 =	vmul.f32 $5.000000000e+03, v9;
	v4 =	vadd.f32 $1.258291200e+07, v4;
	v5 =	vadd.f32 $1.258291200e+07, v5  }
0x19f: {  	v11 =	vmul.f32 $5.000000000e+03, v11;
	v6 =	vadd.f32 $1.258291200e+07, v6;
	v7 =	vadd.f32 $1.258291200e+07, v7  }
0x1a0: {  	v8 =	vadd.f32 $1.258291200e+07, v8;
	v9 =	vadd.f32 $1.258291200e+07, v9  }
0x1a1: {  	v11 =	vadd.f32 $1.258291200e+07, v11;
	v3 =	vadd.f32 $-1.258291200e+07, v3  }
0x1a2: {  	v4 =	vadd.f32 $-1.258291200e+07, v4;
	v5 =	vadd.f32 $-1.258291200e+07, v5  }
0x1a3: {  	v6 =	vadd.f32 $-1.258291200e+07, v6;
	v7 =	vadd.f32 $-1.258291200e+07, v7  }
0x1a4: {  	v8 =	vadd.f32 $-1.258291200e+07, v8;
	v3 =	vtrunc.f32 v3;
	v4 =	vtrunc.f32 v4  }
0x1a5: {  	v9 =	vadd.f32 $-1.258291200e+07, v9;
	v5 =	vtrunc.f32 v5;
	v3 =	vcvt.f32.s32 v3  }
0x1a6: {  	v49 =	vadd.f32 $-1.258291200e+07, v11;
	v6 =	vtrunc.f32 v6;
	v7 =	vtrunc.f32 v7  }
0x1a7: {  	v47 =	vtrunc.f32 v8;
	v48 =	vtrunc.f32 v9;
	v3 =	vadd.s32 $0xFFFFFFFF, v3  }
0x1a8: {  	v4 =	vcvt.f32.s32 v4;
	v5 =	vcvt.f32.s32 v5;
	v43 =	vshll.u32 v3, $0x1  }
0x1a9: {  	v6 =	vcvt.f32.s32 v6;
	v44 =	vand.u32 $0x7, v3;
	v10 =	vand.u32 $0xFFFFFFF0, v43  }
0x1aa: {  	v46 =	vcvt.f32.s32 v7;
	v4 =	vadd.s32 $0xFFFFFFFF, v4;
	[tilespmem:$0x180] =	vst v3;
	v10 =	vor.u32 v44, v10  }
0x1ab: {  	v52 =	vcvt.f32.s32 v47;
	v5 =	vadd.s32 $0xFFFFFFFF, v5;
	[tilespmem:$0x190] =	vst v4;
	v50 =	vperm.xlane v10, v0  }
0x1ac: {  	v51 =	vadd.s32 $0xFFFFFFFF, v46;
	v3 =	vadd.s32 $0xFFFFFFFF, v6;
	[tilespmem:$0x1A0] =	vst v5;
	v4 =	vcvt.f32.s32 v48  }
0x1ad: {  	[tilespmem:$0x1B0] =	vst v3;
	v3 =	vtrunc.f32 v49;
	v54 =	vperm.xlane v10, v2;
	v53 =	vadd.s32 v1, v50  }
0x1ae: {  	v55 =	vadd.s32 $0xFFFFFFFF, v52;
	[tilespmem:$0x1C0] =	vst v51;
	v3 =	vcvt.f32.s32 v3  }
0x1af: {  	[tilespmem:$0x1D0] =	vst v55;
	v4 =	vadd.s32 $0xFFFFFFFF, v4;
	v56 =	vadd.s32 v1, v54  }
0x1b0: {  	[tilespmem:$0x1E0] =	vst v4;
	v3 =	vadd.s32 $0xFFFFFFFF, v3  }
0x1b1: {  	[tilespmem:$0x1F0] =	vst v3  }
0x1b2: {  	[tilespmem:s30], [sflag:$0x2] =	stream.indirect_vreg.gather [hbm4b:s2+s3], $0x80, v53, vm0, $0xb8;
	[tilespmem:$0x10200] =	vst v63  }
0x1b3: {  	_ = 	snop  }
0x1b4: {  	[tilespmem:s31], [sflag:$0x2] =	stream.indirect_vreg.gather [hbm4b:s2+s3], $0x80, v56, vm0, $0xb8;
	[tilespmem:$0x10200] =	vst v63  }
0x1b5: {  	v3 =	vld [tilespmem:$0x190];
	_ =	sdelay $0x4  }
0x1b6: {  	v57 =	vshll.u32 v3, $0x1  }
0x1b7: {  	v3 =	vand.u32 $0x7, v3;
	v4 =	vand.u32 $0xFFFFFFF0, v57  }
0x1b8: {  	v3 =	vor.u32 v3, v4  }
0x1b9: {  	v4 =	vperm.xlane v3, v0;
	_ =	sdelay $0x1  }
0x1ba: {  	v3 =	vperm.xlane v3, v2;
	v4 =	vadd.s32 v1, v4;
	_ =	sdelay $0x1  }
0x1bb: {  	v3 =	vadd.s32 v1, v3;
	_ =	sdelay $0x2  }
0x1bc: {  	[tilespmem:s0], [sflag:$0x2] =	stream.indirect_vreg.gather [hbm4b:s2+s3], $0x80, v4, vm0, $0xb8;
	[tilespmem:$0x10200] =	vst v63  }
0x1bd: {  	_ = 	snop  }
0x1be: {  	[tilespmem:s1], [sflag:$0x2] =	stream.indirect_vreg.gather [hbm4b:s2+s3], $0x80, v3, vm0, $0xb8;
	[tilespmem:$0x10200] =	vst v63  }
0x1bf: {  	v3 =	vld [tilespmem:$0x1A0];
	_ =	sdelay $0x4  }
0x1c0: {  	v58 =	vshll.u32 v3, $0x1  }
0x1c1: {  	v3 =	vand.u32 $0x7, v3;
	v4 =	vand.u32 $0xFFFFFFF0, v58  }
0x1c2: {  	v3 =	vor.u32 v3, v4  }
0x1c3: {  	v4 =	vperm.xlane v3, v0;
	_ =	sdelay $0x1  }
0x1c4: {  	v3 =	vperm.xlane v3, v2;
	v4 =	vadd.s32 v1, v4;
	_ =	sdelay $0x1  }
0x1c5: {  	v3 =	vadd.s32 v1, v3;
	_ =	sdelay $0x2  }
0x1c6: {  	[tilespmem:s5], [sflag:$0x2] =	stream.indirect_vreg.gather [hbm4b:s2+s3], $0x80, v4, vm0, $0xb8;
	[tilespmem:$0x10200] =	vst v63  }
0x1c7: {  	_ = 	snop  }
0x1c8: {  	[tilespmem:s6], [sflag:$0x2] =	stream.indirect_vreg.gather [hbm4b:s2+s3], $0x80, v3, vm0, $0xb8;
	[tilespmem:$0x10200] =	vst v63  }
0x1c9: {  	v3 =	vld [tilespmem:$0x1B0];
	_ =	sdelay $0x4  }
0x1ca: {  	v59 =	vshll.u32 v3, $0x1  }
0x1cb: {  	v3 =	vand.u32 $0x7, v3;
	v4 =	vand.u32 $0xFFFFFFF0, v59  }
0x1cc: {  	v3 =	vor.u32 v3, v4  }
0x1cd: {  	v4 =	vperm.xlane v3, v0;
	_ =	sdelay $0x1  }
0x1ce: {  	v3 =	vperm.xlane v3, v2;
	v4 =	vadd.s32 v1, v4;
	_ =	sdelay $0x1  }
0x1cf: {  	v3 =	vadd.s32 v1, v3;
	_ =	sdelay $0x2  }
0x1d0: {  	[tilespmem:s7], [sflag:$0x2] =	stream.indirect_vreg.gather [hbm4b:s2+s3], $0x80, v4, vm0, $0xb8;
	[tilespmem:$0x10200] =	vst v63  }
0x1d1: {  	_ = 	snop  }
0x1d2: {  	[tilespmem:s4], [sflag:$0x2] =	stream.indirect_vreg.gather [hbm4b:s2+s3], $0x80, v3, vm0, $0xb8;
	[tilespmem:$0x10200] =	vst v63  }
0x1d3: {  	v3 =	vld [tilespmem:$0x1C0];
	_ =	sdelay $0x4  }
0x1d4: {  	v60 =	vshll.u32 v3, $0x1  }
0x1d5: {  	v3 =	vand.u32 $0x7, v3;
	v4 =	vand.u32 $0xFFFFFFF0, v60  }
0x1d6: {  	v3 =	vor.u32 v3, v4  }
0x1d7: {  	v4 =	vperm.xlane v3, v0;
	_ =	sdelay $0x1  }
0x1d8: {  	v3 =	vperm.xlane v3, v2;
	v4 =	vadd.s32 v1, v4;
	_ =	sdelay $0x1  }
0x1d9: {  	v3 =	vadd.s32 v1, v3;
	_ =	sdelay $0x2  }
0x1da: {  	[tilespmem:s10], [sflag:$0x2] =	stream.indirect_vreg.gather [hbm4b:s2+s3], $0x80, v4, vm0, $0xb8;
	[tilespmem:$0x10200] =	vst v63  }
0x1db: {  	_ = 	snop  }
0x1dc: {  	[tilespmem:s13], [sflag:$0x2] =	stream.indirect_vreg.gather [hbm4b:s2+s3], $0x80, v3, vm0, $0xb8;
	[tilespmem:$0x10200] =	vst v63  }
0x1dd: {  	v3 =	vld [tilespmem:$0x1D0];
	_ =	sdelay $0x4  }
0x1de: {  	v61 =	vshll.u32 v3, $0x1  }
0x1df: {  	v3 =	vand.u32 $0x7, v3;
	v4 =	vand.u32 $0xFFFFFFF0, v61  }
0x1e0: {  	v3 =	vor.u32 v3, v4  }
0x1e1: {  	v4 =	vperm.xlane v3, v0;
	_ =	sdelay $0x1  }
0x1e2: {  	v3 =	vperm.xlane v3, v2;
	v4 =	vadd.s32 v1, v4;
	_ =	sdelay $0x1  }
0x1e3: {  	v3 =	vadd.s32 v1, v3;
	_ =	sdelay $0x2  }
0x1e4: {  	[tilespmem:s14], [sflag:$0x2] =	stream.indirect_vreg.gather [hbm4b:s2+s3], $0x80, v4, vm0, $0xb8;
	[tilespmem:$0x10200] =	vst v63  }
0x1e5: {  	_ = 	snop  }
0x1e6: {  	[tilespmem:s15], [sflag:$0x2] =	stream.indirect_vreg.gather [hbm4b:s2+s3], $0x80, v3, vm0, $0xb8;
	[tilespmem:$0x10200] =	vst v63  }
0x1e7: {  	v3 =	vld [tilespmem:$0x1E0];
	_ =	sdelay $0x4  }
0x1e8: {  	v62 =	vshll.u32 v3, $0x1  }
0x1e9: {  	v3 =	vand.u32 $0x7, v3;
	v4 =	vand.u32 $0xFFFFFFF0, v62  }
0x1ea: {  	v3 =	vor.u32 v3, v4  }
0x1eb: {  	v4 =	vperm.xlane v3, v0;
	_ =	sdelay $0x1  }
0x1ec: {  	v3 =	vperm.xlane v3, v2;
	v4 =	vadd.s32 v1, v4;
	_ =	sdelay $0x1  }
0x1ed: {  	v3 =	vadd.s32 v1, v3;
	_ =	sdelay $0x2  }
0x1ee: {  	[tilespmem:s16], [sflag:$0x2] =	stream.indirect_vreg.gather [hbm4b:s2+s3], $0x80, v4, vm0, $0xb8;
	[tilespmem:$0x10200] =	vst v63  }
0x1ef: {  	_ = 	snop  }
0x1f0: {  	[tilespmem:s17], [sflag:$0x2] =	stream.indirect_vreg.gather [hbm4b:s2+s3], $0x80, v3, vm0, $0xb8;
	[tilespmem:$0x10200] =	vst v63  }
0x1f1: {  	v3 =	vld [tilespmem:$0x1F0];
	_ =	sdelay $0x4  }
0x1f2: {  	v63 =	vshll.u32 v3, $0x1  }
0x1f3: {  	v3 =	vand.u32 $0x7, v3;
	v4 =	vand.u32 $0xFFFFFFF0, v63  }
0x1f4: {  	v3 =	vor.u32 v3, v4  }
0x1f5: {  	v4 =	vperm.xlane v3, v0;
	_ =	sdelay $0x1  }
0x1f6: {  	v3 =	vperm.xlane v3, v2;
	v4 =	vadd.s32 v1, v4;
	_ =	sdelay $0x1  }
0x1f7: {  	v3 =	vadd.s32 v1, v3  }
.Ltmp3:
0x1f8: {  	_ = 	snop;
	(pc) =	sbr.rel .LBB2_2-.Ltmp3, $4  }
0x1f9: {  	_ = 	snop  }
0x1fa: {  	[tilespmem:s18], [sflag:$0x2] =	stream.indirect_vreg.gather [hbm4b:s2+s3], $0x80, v4, vm0, $0xb8;
	[tilespmem:$0x10200] =	vst v63  }
0x1fb: {  	s26 =	sadd.s32 $0x2000, s26;
	s24 =	sadd.s32 $0x2000, s24;
	s25 =	sadd.s32 $0x20, s25  }
0x1fc: {  	[tilespmem:s19], [sflag:$0x2] =	stream.indirect_vreg.gather [hbm4b:s2+s3], $0x80, v3, vm0, $0xb8;
	[tilespmem:$0x10200] =	vst v63  }
.LBB2_5:
0x1fd: {  	_ =	sfence.sel $0x180000  }
0x1fe: {  	[bflag:$0x0] =	sbarrier.arrive $0xFFFF  }
0x1ff: {  	_ =	strace $0x90000047  }
0x200: {  	s0 =	stileid.u32;
	[bflag:$0x2] =	sbarrier.arrive $0xFFFF  }
0x201: {  	p0 =	sne.s32 s0, $0x0;
	s0 =	rddreg [dreg:$0x3]  }
0x202: {  	s0 =	sadd.s32 @!p0 $0x100000, s0  }
0x203: {  	[sflag:s0] =	ssyncadd.tile.s32 @!p0 $0x1;
	_ =	shalt  }
.Lfunc_end2:
_tile_overlayer_lowered:
.L_overlay_start_2:
0x204: {  	(tag) =	ssettag $0x2  }
0x205: {  	s0 =	rddreg [dreg:$0x0];
	s2 =	stileid.u32  }
0x206: {  	s1 =	rddreg [dreg:$0x1];
	p0 =	sne.s32 s2, $0x0  }
0x207: {  	s3 =	rddreg [dreg:$0x2];
	[bflag:$0x3] =	sbarrier.arrive $0xFFFF;
	s2 =	simm.s32 @!p0 $0x1C05  }
0x208: {  	[timem:s3], [sflag:s2] =	dma.local @!p0 [hbm:s0], s1  }
0x209: {  	s0 =	simm.s32 @!p0 $0x5  }
0x20a: {  	_ =	swait.ge @!p0 [sflag:s0], s1  }
0x20b: {  	s1 =	ssub.s32 @!p0 $0x0, s1;
	[sflag:s0] =	ssyncset.done @!p0 $0x0  }
0x20c: {  	[sflag:s0] =	ssyncadd.s32 @!p0 s1  }
0x20d: {  	[bflag:$0x3] =	sbarrier.arrive $0xFFFF  }
0x20e: {  	_ =	shalt  }

// kernel: sparse-core-data-format-call.cloned.1.call-start
scs
called_computation_lowered:
.L_overlay_start_0:
0x0: {  	s2 =	sld [smem:$0x3FD9]  }
0x1: {  	s3 =	sld [smem:$0x3FFE];
	_ =	sdelay $0x1  }
0x2: {  	s1 =	srdreg.scid  }
0x3: {  	s0 =	sand.u32 $0x1, s1  }
0x4: {  	s18 =	sshll.u32 s0, $0xA;
	s2 =	sadd.s32 s3, s2  }
0x5: {  	s2 =	sadd.s32 s2, s18  }
0x6: {  	[smem:$0x3FC6] =	sst s2  }
0x7: {  	_ = 	snop  }
0x8: {  	s2 =	sld [smem:$0x3FD0];
	(tm) =	ssettm $0x1  }
0x9: {  	s19 =	sld [smem:$0x3FFB];
	_ =	sdelay $0x3  }
0xa: {  	_ =	strace s19  }
0xb: {  	s3 =	sld [smem:$0x3FFC];
	_ =	sdelay $0x3  }
0xc: {  	_ =	strace s3  }
0xd: {  	s3 =	sld [smem:$0x3FFD];
	_ =	sdelay $0x3  }
0xe: {  	_ =	strace s3  }
0xf: {  	_ =	strace $0x8FFFFFFF  }
0x10: {  	s20 =	sld [smem:$0x3FDB];
	_ =	sdelay $0x1  }
0x11: {  	s4 =	simm.s32 $_scs_section_size  }
0x12: {  	s5 =	simm.s32 $_size__tile_overlayer_lowered;
	s6 =	simm.s32 $_tile_overlayer_lowered  }
0x13: {  	s23 =	simm.s32 $0x1BFF;
	s22 =	sshll.u32 s6, $0x1;
	s3 =	sadd.s32 s4, s20  }
0x14: {  	s7 =	simm.s32 $0x0;
	s21 =	sshll.u32 s5, $0x1;
	s5 =	sadd.s32 s22, s3  }
0x15: {  	[timem:s7], [sflag:s23] =	dma.local [hbm:s5], s21  }
0x16: {  	_ =	swait.ge [sflag:s23], s21  }
0x17: {  	s4 =	ssub.s32 $0x0, s21;
	[sflag:s23] =	ssyncset.done $0x0  }
0x18: {  	[sflag:s23] =	ssyncadd.s32 s4;
	_ =	sdelay $0x1  }
0x19: {  	s24 =	simm.s32 $0x1B8B  }
0x1a: {  	_ =	swait.ge [sflag:s24], $0x1  }
0x1b: {  	[sflag:s24] =	ssyncset.done $0x0  }
0x1c: {  	s26 =	simm.s32 $0x1B8E;
	s25 =	sld [smem:$0x3FFE];
	[sflag:s24] =	ssyncadd.s32 $0xFFFFFFFF  }
0x1d: {  	s27 =	simm.s32 $execute0_lowered;
	[smem:$0x3FD2] =	sst s26  }
0x1e: {  	s5 =	sshll.u32 s27, $0x1;
	_ =	strace $0x80000049;
	[dreg:$0x1] =	wrdreg $0xFFFFFFFF  }
0x1f: {  	s28 =	simm.s32 $_size_execute0_lowered;
	s3 =	sadd.s32 s3, s5;
	[dreg:$0x0] =	wrdreg $0x0  }
0x20: {  	s5 =	sshll.u32 s28, $0x1;
	[dreg:$0x2] =	wrdreg s3  }
0x21: {  	[dreg:$0x3] =	wrdreg s5  }
0x22: {  	[dreg:$0x4] =	wrdreg $0xC0  }
0x23: {  	_ =	task [dreg:s7], $0x5FFFF  }
0x24: {  	[dreg:$0x1] =	wrdreg $0xFFFFFFFF  }
0x25: {  	[dreg:$0x0] =	wrdreg $0x60  }
0x26: {  	[dreg:$0x2] =	wrdreg s25  }
0x27: {  	[dreg:$0x3] =	wrdreg s2  }
0x28: {  	[dreg:$0x4] =	wrdreg $0x9  }
0x29: {  	_ =	task.clear_ibuf [dreg:s7], $0x5FFFF;
	_ =	strace $0x90000049  }
0x2a: {  	s29 =	simm.s32 $0x9;
	_ =	strace $0x8000004B  }
0x2b: {  	_ =	swait.ge [sflag:s29], $0x1  }
0x2c: {  	[sflag:s29] =	ssyncadd.s32 $0xFFFFFFFF  }
0x2d: {  	_ =	strace $0x9000004B  }
0x2e: {  	_ =	sfence  }
0x2f: {  	s30 =	sld [smem:$0x0];
	_ =	sdelay $0x2  }
0x30: {  	s31 =	sshll.u32 s1, $0xD;
	s1 =	sshrl.u32 s1, $0x2  }
0x31: {  	s3 =	sand.u32 $0x4000, s31;
	s1 =	sadd.s32 s1, s30  }
0x32: {  	s0 =	sor.u32 s3, s0;
	s1 =	sshll.u32 s1, $0x11  }
0x33: {  	s0 =	sor.u32 s1, s0  }
0x34: {  	s0 =	sadd.s32 $0x8F2B, s0  }
0x35: {  	[sflag:s0] =	ssyncadd.remote.s32 $0x1  }
0x36: {  	_ =	sfence.sel $0xFFFF  }
0x37: {  	[dreg:$0x0] =	wrdreg $0xFFFFFFFF;
	(pc) =	sbr.abs _section_cstart, $3  }
0x38: {  	[dreg:$0x1] =	wrdreg $0xFFFFFFFF  }
0x39: {  	_ =	task.clear_ibuf [dreg:s7], $0x2FFFF;
	_ =	strace $0x9FFFFFFF  }
0x3a: {  	(tm) =	ssettm $0x7FFFFFFF  }
0x3b: {  	_ =	shalt  }
tec
execute0_lowered:
.L_overlay_start_1:
0x0: {  	(tag) =	ssettag $0x1  }
0x1: {  	s0 =	srdreg.scid  }
0x2: {  	s1 =	sshll.u32 s0, $0x4  }
0x3: {  	s6 =	rddreg [dreg:$0x0];
	s0 =	stileid.u32;
	s1 =	sand.u32 $0x10, s1  }
0x4: {  	s3 =	rddreg [dreg:$0x1];
	s1 =	sor.u32 s0, s1  }
0x5: {  	s5 =	simm.s32 $0x1;
	s31 =	simm.s32 $0x2;
	s2 =	sshll.u32 s1, $0x7  }
0x6: {  	s14 =	simm.s32 $0x0;
	s8 =	simm.s32 $0x800;
	s4 =	ssub.s32 $0x1000, s2  }
0x7: {  	s9 =	simm.s32 $0x0;
	s15 =	simm.s32 $0x0;
	s30 =	sand.u32 $0xF80, s4  }
0x8: {  	s16 =	simm.s32 $0x0;
	s10 =	simm.s32 $0x0;
	p0 =	sne.s32 s30, $0x0  }
.Ltmp0:
0x9: {  	s7 =	sshrl.u32 s4, $0xC;
	s5 =	simm.s32 @!p0 $0x0;
	(pc) =	sbr.rel .LBB1_1-.Ltmp0, $4  }
0xa: {  	s11 =	simm.s32 $0x0;
	s1 =	rddreg [dreg:$0x2];
	s5 =	sadd.s32 s5, s7  }
0xb: {  	_ =	strace $0x8000004A;
	s4 =	simm.s32 $0x1;
	s5 =	smul.u32 $0xC8, s5  }
0xc: {  	s13 =	simm.s32 $0x0;
	s6 =	sadd.s32 $0x800, s6;
	[sflag:s4] =	ssyncpa.u1 $0x0  }
0xd: {  	s12 =	smov.u32 s2;
	[sflag:s31] =	ssyncpa.u1 $0x0;
	s7 =	sor.u32 $0x1, s5  }
.LBB1_4:
0xe: {  	_ =	sdelay $0x3  }
0xf: {  	[tilespmem:v0+s19+$0xFFFFFFD0 ss:$0x1] =	vst.idx.msk $0xffff, v6  }
0x10: {  	v56 =	vld.idx.msk [tilespmem:v1+s18+$0x0 ss:$0x1], $0xffff;
	[tilespmem:v0+s19+$0xFFFFFFE0 ss:$0x1] =	vst.idx.msk $0xffff, v4  }
0x11: {  	v57 =	vld.idx.msk [tilespmem:v1+s18+$0xFFFFFF90 ss:$0x1], $0xffff;
	[tilespmem:v0+s19+$0xFFFFFFF0 ss:$0x1] =	vst.idx.msk $0xffff, v2  }
0x12: {  	v58 =	vld.idx.msk [tilespmem:v1+s18+$0xFFFFFFA0 ss:$0x1], $0xffff;
	[tilespmem:v0+s19+$0x0 ss:$0x1] =	vst.idx.msk $0xffff, v3  }
0x13: {  	v59 =	vld.idx.msk [tilespmem:v1+s18+$0xFFFFFFB0 ss:$0x1], $0xffff;
	[tilespmem:v0+s19+$0x10 ss:$0x1] =	vst.idx.msk $0xffff, v5  }
0x14: {  	v60 =	vld.idx.msk [tilespmem:v1+s18+$0xFFFFFFC0 ss:$0x1], $0xffff;
	[tilespmem:v0+s19+$0x20 ss:$0x1] =	vst.idx.msk $0xffff, v7  }
0x15: {  	v61 =	vld.idx.msk [tilespmem:v1+s18+$0xFFFFFFD0 ss:$0x1], $0xffff;
	s27 =	sshll.u32 s16, $0x8;
	[tilespmem:v0+s18+$0x30 ss:$0x1] =	vst.idx.msk $0xffff, v56  }
0x16: {  	s20 =	sshll.u32 s14, $0x3;
	v62 =	vld.idx.msk [tilespmem:v1+s18+$0xFFFFFFE0 ss:$0x1], $0xffff;
	s28 =	sshll.u32 s16, $0x7;
	s30 =	sand.u32 $0x78, s14;
	[tilespmem:v0+s18+$0xFFFFFFC0 ss:$0x1] =	vst.idx.msk $0xffff, v57  }
0x17: {  	v63 =	vld.idx.msk [tilespmem:v1+s18+$0xFFFFFFF0 ss:$0x1], $0xffff;
	s15 =	sshll.u32 s15, $0x11;
	s19 =	sand.u32 $0xFF800, s27;
	s20 =	sand.u32 $0xFFC00, s20;
	[tilespmem:v0+s18+$0xFFFFFFD0 ss:$0x1] =	vst.idx.msk $0xffff, v58  }
0x18: {  	s29 =	sand.u32 $0x300, s28;
	s16 =	sand.u32 $0x80, s28;
	s19 =	sadd.s32 s19, s20;
	[tilespmem:v0+s18+$0xFFFFFFE0 ss:$0x1] =	vst.idx.msk $0xffff, v59  }
0x19: {  	s31 =	sand.u32 $0x7, s14;
	s16 =	sor.u32 s16, s30;
	s19 =	sor.u32 s29, s19;
	[tilespmem:v0+s18+$0xFFFFFFF0 ss:$0x1] =	vst.idx.msk $0xffff, v60  }
0x1a: {  	s15 =	sadd.s32 s3, s15;
	s16 =	sshrl.u32 s16, $0x3;
	s19 =	sshrl.u32 s19, $0x3;
	[tilespmem:v0+s18+$0x0 ss:$0x1] =	vst.idx.msk $0xffff, v61  }
0x1b: {  	s14 =	sshll.u32 s31, $0x12;
	s15 =	sadd.s32 s16, s15;
	[tilespmem:v0+s18+$0x10 ss:$0x1] =	vst.idx.msk $0xffff, v62;
	s19 =	sand.u32 $0x1FFE0, s19  }
0x1c: {  	s14 =	sor.u32 $0x400, s14;
	[tilespmem:v0+s18+$0x20 ss:$0x1] =	vst.idx.msk $0xffff, v63;
	s15 =	sadd.s32 s19, s15  }
0x1d: {  	[hbm4b:s15+s14] =	stream.strided.scatter [tilespmem:s17], [sflag:$0x2], $0x4000, s8, s14, $0x38;
	[tilespmem:$0x10000] =	vst v63  }
.LBB1_5:
0x1e: {  	s17 =	sadd.s32 $0x80, s10  }
0x1f: {  	s14 =	simm.s32 $0x1;
	p1 =	sgt.s32 s17, $0xFF  }
0x20: {  	s14 =	simm.s32 @!p1 $0x0  }
0x21: {  	s18 =	sadd.s32 s14, s11  }
0x22: {  	s20 =	smov.u32 s12;
	s14 =	sadd.s32 $0x1000, s12;
	p2 =	sgt.s32 s18, $0x63  }
0x23: {  	s20 =	smov.u32 @p2 s14  }
0x24: {  	p0 =	slt.u32 s13, $0x2;
	s17 =	simm.s32 @p1 $0x0;
	p1 =	sgt.s32 s20, $0xFFF  }
0x25: {  	s19 =	simm.s32 @!p0 $0x2;
	s20 =	smov.u32 @p1 s2;
	p1 =	sne.s32 s13, s7  }
.Ltmp1:
0x26: {  	_ =	swait.ge @!p0 [sflag:s19], $0x4000;
	(pc) =	sbr.rel @!p1 .LBB1_6-.Ltmp1, $4  }
0x27: {  	s15 =	smov.u32 s11;
	[sflag:s19] =	ssyncset.done @!p0 $0x0  }
0x28: {  	s16 =	smov.u32 s12;
	s9 =	sadd.s32 $0x4000, s9;
	[sflag:s19] =	ssyncadd.s32 @!p0 $0xFFFFC000  }
0x29: {  	s18 =	simm.s32 @p2 $0x0;
	s14 =	smov.u32 s10;
	s10 =	smov.u32 s17  }
0x2a: {  	s11 =	smov.u32 s18;
	s13 =	sadd.s32 $0x1, s13;
	s12 =	smov.u32 s20  }
.LBB1_1:
0x2b: {  	p0 =	sge.u32 s13, s5  }
0x2c: {  	s17 =	sshll.u32 @!p0 s11, $0x8;
	s18 =	sshll.u32 @!p0 s10, $0x3  }
0x2d: {  	s19 =	sshll.u32 @!p0 s11, $0x7;
	s17 =	sand.u32 @!p0 $0xFFFFF800, s17;
	s18 =	sand.u32 @!p0 $0xFFFFFC00, s18  }
0x2e: {  	s17 =	sadd.s32 @!p0 s17, s18;
	s18 =	sand.u32 @!p0 $0x300, s19  }
0x2f: {  	s17 =	sor.u32 @!p0 s18, s17  }
0x30: {  	s17 =	sshrl.u32 @!p0 s17, $0x8  }
0x31: {  	s31 =	sadd.s32 $0xFFFFFFFF, s13;
	s18 =	smulhi.u32 @!p0 $0x2762763, s17  }
0x32: {  	s20 =	sxor.u32 @!p0 $0xFFFFFFFF, s13;
	s21 =	sand.u32 @!p0 $0x78, s10;
	s22 =	smul.u32 @!p0 $0xD00, s12  }
0x33: {  	s20 =	sshll.u32 @!p0 s20, $0xE;
	s19 =	sand.u32 @!p0 $0x80, s19;
	s18 =	smul.u32 @!p0 $0x68, s18  }
0x34: {  	s20 =	sand.u32 @!p0 $0x4000, s20;
	s19 =	sor.u32 @!p0 s21, s19;
	s21 =	sand.u32 @!p0 $0x7, s10  }
0x35: {  	s17 =	ssub.s32 @!p0 s17, s18;
	s18 =	sshrl.u32 @!p0 s19, $0x3;
	s19 =	sadd.s32 @!p0 s6, s22  }
0x36: {  	s17 =	sshll.u32 @!p0 s17, $0x5;
	s18 =	sadd.s32 @!p0 s18, s19;
	s19 =	sshll.u32 @!p0 s21, $0x12  }
0x37: {  	s17 =	sadd.s32 @!p0 s17, s18;
	s18 =	sor.u32 @!p0 $0x80, s19;
	s19 =	simm.s32 @!p0 $0x6800  }
0x38: {  	[tilespmem:s20], [sflag:$0x1] =	stream.strided.gather @!p0 [hbm4b:s17+s18], $0x4000, s19, s18, $0x38;
	[tilespmem:$0x10000] =	vst v63  }
0x39: {  	p0 =	sge.u32 s31, s5  }
.Ltmp2:
0x3a: {  	_ = 	snop;
	(pc) =	sbr.rel @p0 .LBB1_5-.Ltmp2, $1  }
0x3b: {  	_ =	sdelay $0x3  }
0x3c: {  	s17 =	sand.u32 $0x4000, s9  }
0x3d: {  	s18 =	sor.u32 $0x70, s17  }
0x3e: {  	v1 =	vmov s18;
	_ =	sdelay $0x1  }
0x3f: {  	_ =	swait.ge [sflag:s4], $0x4000  }
0x40: {  	[sflag:s4] =	ssyncset.done $0x0  }
0x41: {  	s19 =	simm.s32 $0x0;
	[sflag:s4] =	ssyncadd.s32 $0xFFFFC000  }
0x42: {  	s17 =	sor.u32 $0x8040, s17;
	v7 =	vld.idx.msk [tilespmem:v1+s19+$0x0 ss:$0x1], $0xffff  }
0x43: {  	v0 =	vmov s17;
	v8 =	vld.idx.msk [tilespmem:v1+s19+$0xFFFFFF90 ss:$0x1], $0xffff  }
0x44: {  	v6 =	vld.idx.msk [tilespmem:v1+s19+$0xFFFFFFA0 ss:$0x1], $0xffff  }
0x45: {  	v4 =	vld.idx.msk [tilespmem:v1+s19+$0xFFFFFFB0 ss:$0x1], $0xffff  }
0x46: {  	v2 =	vld.idx.msk [tilespmem:v1+s19+$0xFFFFFFC0 ss:$0x1], $0xffff  }
0x47: {  	s31 =	sshll.u32 s13, $0xE;
	v3 =	vld.idx.msk [tilespmem:v1+s19+$0xFFFFFFD0 ss:$0x1], $0xffff  }
0x48: {  	s17 =	sand.u32 $0x4000, s31;
	v5 =	vld.idx.msk [tilespmem:v1+s19+$0xFFFFFFE0 ss:$0x1], $0xffff;
	[tilespmem:v0+s19+$0x30 ss:$0x1] =	vst.idx.msk $0xffff, v7  }
0x49: {  	s20 =	simm.s32 $0x400;
	s18 =	simm.s32 $0x80;
	s17 =	sor.u32 $0x8000, s17;
	[tilespmem:v0+s19+$0xFFFFFFC0 ss:$0x1] =	vst.idx.msk $0xffff, v8;
	v7 =	vld.idx.msk [tilespmem:v1+s19+$0xFFFFFFF0 ss:$0x1], $0xffff  }
.LBB1_3:
0x4a: {  	p0 =	sne.s32 s20, $0xFE00;
	v8 =	vld.idx.msk [tilespmem:v1+s18+$0x0 ss:$0x1], $0xffff;
	[tilespmem:v0+s19+$0xFFFFFFD0 ss:$0x1] =	vst.idx.msk $0xffff, v6  }
0x4b: {  	v9 =	vld.idx.msk [tilespmem:v1+s18+$0xFFFFFF90 ss:$0x1], $0xffff;
	[tilespmem:v0+s19+$0xFFFFFFE0 ss:$0x1] =	vst.idx.msk $0xffff, v4  }
0x4c: {  	v6 =	vld.idx.msk [tilespmem:v1+s18+$0xFFFFFFA0 ss:$0x1], $0xffff;
	[tilespmem:v0+s19+$0xFFFFFFF0 ss:$0x1] =	vst.idx.msk $0xffff, v2  }
.Ltmp3:
0x4d: {  	v4 =	vld.idx.msk [tilespmem:v1+s18+$0xFFFFFFB0 ss:$0x1], $0xffff;
	[tilespmem:v0+s19+$0x0 ss:$0x1] =	vst.idx.msk $0xffff, v3;
	(pc) =	sbr.rel @p0 .LBB1_3-.Ltmp3, $4  }
0x4e: {  	v2 =	vld.idx.msk [tilespmem:v1+s18+$0xFFFFFFC0 ss:$0x1], $0xffff;
	[tilespmem:v0+s19+$0x10 ss:$0x1] =	vst.idx.msk $0xffff, v5  }
0x4f: {  	v3 =	vld.idx.msk [tilespmem:v1+s18+$0xFFFFFFD0 ss:$0x1], $0xffff;
	[tilespmem:v0+s19+$0x20 ss:$0x1] =	vst.idx.msk $0xffff, v7;
	s19 =	smov.u32 s18  }
0x50: {  	v5 =	vld.idx.msk [tilespmem:v1+s19+$0xFFFFFFE0 ss:$0x1], $0xffff;
	[tilespmem:v0+s19+$0x30 ss:$0x1] =	vst.idx.msk $0xffff, v8  }
0x51: {  	s18 =	sshra.s32 s20, $0x2;
	s20 =	sadd.s32 $0x200, s20;
	[tilespmem:v0+s19+$0xFFFFFFC0 ss:$0x1] =	vst.idx.msk $0xffff, v9;
	v7 =	vld.idx.msk [tilespmem:v1+s19+$0xFFFFFFF0 ss:$0x1], $0xffff  }
.Ltmp4:
0x52: {  	_ = 	snop;
	(pc) =	sbr.rel .LBB1_4-.Ltmp4, $1  }
0x53: {  	_ =	sdelay $0x3  }
.LBB1_6:
0x54: {  	_ =	sfence.sel $0x180000  }
0x55: {  	s2 =	simm.s32 $0x1;
	[bflag:$0x0] =	sbarrier.arrive $0xFFFF  }
0x56: {  	s31 =	simm.s32 $0x2;
	[sflag:s2] =	ssyncpa.u1 $0x1  }
0x57: {  	[sflag:s31] =	ssyncpa.u1 $0x1  }
0x58: {  	p0 =	sne.s32 s0, $0x0;
	_ =	strace $0x9000004A  }
0x59: {  	s0 =	sadd.s32 @!p0 $0x100000, s1;
	[bflag:$0x2] =	sbarrier.arrive $0xFFFF  }
0x5a: {  	[sflag:s0] =	ssyncadd.tile.s32 @!p0 $0x1;
	_ =	shalt  }
.Lfunc_end1:
_tile_overlayer_lowered:
.L_overlay_start_2:
0x5b: {  	(tag) =	ssettag $0x2  }
0x5c: {  	s0 =	rddreg [dreg:$0x0];
	s2 =	stileid.u32  }
0x5d: {  	s1 =	rddreg [dreg:$0x1];
	p0 =	sne.s32 s2, $0x0  }
0x5e: {  	s3 =	rddreg [dreg:$0x2];
	[bflag:$0x3] =	sbarrier.arrive $0xFFFF;
	s2 =	simm.s32 @!p0 $0x1C01  }
0x5f: {  	[timem:s3], [sflag:s2] =	dma.local @!p0 [hbm:s0], s1  }
0x60: {  	s0 =	simm.s32 @!p0 $0x1  }
0x61: {  	_ =	swait.ge @!p0 [sflag:s0], s1  }
0x62: {  	s1 =	ssub.s32 @!p0 $0x0, s1;
	[sflag:s0] =	ssyncset.done @!p0 $0x0  }
0x63: {  	[sflag:s0] =	ssyncadd.s32 @!p0 s1  }
0x64: {  	[bflag:$0x3] =	sbarrier.arrive $0xFFFF  }
0x65: {  	_ =	shalt  }

</sc_bundles>
